<compile_context>
chip_gen: v7x
topology: tpu7x:2x2x1
jax: 0.10.2.dev20260603
libtpu: 0.0.44.dev20260713+nightly
codegen_flags: <defaults>
</compile_context>

<pallas_src>
import functools

import jax
import jax.numpy as jnp
from jax import lax
from jax.experimental import pallas as pl
from jax.experimental.pallas import tpu as pltpu
from jax.experimental.pallas import tpu_sc as plsc

_SCALE_XY = 10.0
_SCALE_WH = 5.0
_NB = 2



def _dot(a, b):
    return jax.lax.dot_general(a, b, (((1,), (0,)), ((), ())),
                               preferred_element_type=jnp.float32)


def _conf_sample(x, lab, n_batch):
    C, A = x.shape
    e = jnp.exp(x).astype(jnp.bfloat16)
    ones_c = jnp.ones((1, C), jnp.bfloat16)
    lse = jnp.log(_dot(ones_c, e))
    cls = jax.lax.broadcasted_iota(jnp.int32, (C, A), 0)
    picked = jnp.sum(jnp.where(cls == lab, x, 0.0), axis=0, keepdims=True)
    tcl = lse - picked

    pos = lab > 0
    pos_f = pos.astype(jnp.float32)
    pos_num = jnp.sum(lab > 0, dtype=jnp.int32)

    cn = jnp.where(pos, 0.0, tcl)
    Q = 64
    iota_i = jax.lax.broadcasted_iota(jnp.int32, (Q, A), 0)
    iota_a = jax.lax.broadcasted_iota(jnp.int32, (Q, A), 1)
    qcol = jnp.swapaxes(cn[:, :Q], 0, 1)
    below = (cn < qcol) | ((cn == qcol) & (iota_a < iota_i))
    ones_a = jnp.ones((A, 1), jnp.bfloat16)
    rank = _dot(below.astype(jnp.bfloat16), ones_a)
    ranked_tcl = jnp.where(iota_a == rank.astype(jnp.int32), tcl, 0.0)
    gathered = _dot(ranked_tcl.astype(jnp.bfloat16), ones_a)
    k = jnp.minimum(pos_num * 3, jnp.int32(n_batch)).astype(jnp.float32)
    ivec = jax.lax.broadcasted_iota(jnp.int32, (Q, 1), 0).astype(jnp.float32)
    neg_contrib = jnp.sum(jnp.where(ivec < k, gathered, 0.0))

    closs = jnp.sum(tcl * pos_f) + neg_contrib
    return closs, pos_num.astype(jnp.float32)


def _conf_kernel(labels_ref, confs_ref, out_ref, *, n_batch):
    rows = []
    for i in range(_NB):
        c, n = _conf_sample(confs_ref[i], labels_ref[i], n_batch)
        rows.append(jnp.reshape(jnp.stack([c, n]), (1, 1, 2)))
    out_ref[...] = jnp.concatenate(rows, axis=0)


def _conf_call(predict_confs, labels3):
    B, C, A = predict_confs.shape
    return pl.pallas_call(
        functools.partial(_conf_kernel, n_batch=B),
        grid=(B // _NB,),
        in_specs=[
            pl.BlockSpec((_NB, 1, A), lambda b: (b, 0, 0)),
            pl.BlockSpec((_NB, C, A), lambda b: (b, 0, 0)),
        ],
        out_specs=pl.BlockSpec((_NB, 1, 2), lambda b: (b, 0, 0)),
        out_shape=jax.ShapeDtypeStruct((B, 1, 2), jnp.float32),
        compiler_params=pltpu.CompilerParams(
            dimension_semantics=("parallel",)),
    )(labels3, predict_confs)



_A = 8732
_FULL_CHUNKS = _A // 16
_TAIL_START = _A - 16
_TAIL_DUP = _FULL_CHUNKS * 16 - _TAIL_START


def _loc_tile_body(plocs_hbm, glocs_hbm, labels_hbm, dboxes_hbm, out_hbm,
                   pv, gv, dv, lv, ov):
    info = plsc.get_sparse_core_info()
    nc = info.num_cores
    wid = lax.axis_index("s") * nc + lax.axis_index("c")
    pltpu.sync_copy(dboxes_hbm.at[0], dv)

    lane = lax.broadcasted_iota(jnp.int32, (16,), 0)

    def sample_loss(b):
        pltpu.sync_copy(plocs_hbm.at[b], pv)
        pltpu.sync_copy(glocs_hbm.at[b], gv)
        pltpu.sync_copy(labels_hbm.at[b], lv)

        def chunk_val(offs, keep):
            g0 = gv[0, pl.ds(offs, 16)]
            g1 = gv[1, pl.ds(offs, 16)]
            d0 = dv[0, pl.ds(offs, 16)]
            d1 = dv[1, pl.ds(offs, 16)]
            d2 = dv[2, pl.ds(offs, 16)]
            d3 = dv[3, pl.ds(offs, 16)]
            v0 = _SCALE_XY * (g0 - d0) / d2
            v1 = _SCALE_XY * (g1 - d1) / d3
            v2 = _SCALE_WH * (g0 - d2) / d2
            v3 = _SCALE_WH * (g1 - d3) / d3
            s = jnp.zeros((16,), jnp.float32)
            for j, v in enumerate((v0, v1, v2, v3)):
                d = pv[j, pl.ds(offs, 16)] - v
                ad = jnp.abs(d)
                s = s + jnp.where(ad < 1.0, 0.5 * d * d, ad - 0.5)
            m = (lv[pl.ds(offs, 16)] > 0) & keep
            return jnp.where(m, s, 0.0)

        def body(i, acc):
            return acc + chunk_val(i * 16, lane >= 0)

        acc = lax.fori_loop(0, _FULL_CHUNKS, body,
                            jnp.zeros((16,), jnp.float32))
        return acc + chunk_val(_TAIL_START, lane >= _TAIL_DUP)

    ov[0, :] = sample_loss(wid * 2)
    ov[1, :] = sample_loss(wid * 2 + 1)
    pltpu.sync_copy(ov, out_hbm.at[wid])


def _loc_call(predict_locs, ground_locs, ground_lables, dboxes):
    mesh = plsc.VectorSubcoreMesh(core_axis_name="c", subcore_axis_name="s")
    kern = functools.partial(
        pl.kernel, mesh=mesh,
        out_type=jax.ShapeDtypeStruct((32, 2, 16), jnp.float32),
        scratch_types=[
            pltpu.VMEM((4, _A), jnp.float32),
            pltpu.VMEM((4, _A), jnp.float32),
            pltpu.VMEM((4, _A), jnp.float32),
            pltpu.VMEM((_A,), jnp.int32),
            pltpu.VMEM((2, 16), jnp.float32),
        ],
    )(_loc_tile_body)
    return kern(predict_locs, ground_locs, ground_lables, dboxes)



@jax.jit
def _run(predict_locs, predict_confs, ground_locs, ground_lables, dboxes):
    B, C, A = predict_confs.shape
    labels3 = ground_lables.reshape(B, 1, A)
    conf = _conf_call(predict_confs, labels3)
    locw = _loc_call(predict_locs, ground_locs, ground_lables, dboxes)
    pos_loc = jnp.sum(locw, axis=-1).reshape(B)
    closs = conf[:, 0, 0]
    pos_num = conf[:, 0, 1]
    total = pos_loc + closs
    res = jnp.where(pos_num > 0,
                    total / jnp.maximum(pos_num, 1e-6), 0.0)
    return jnp.mean(res)


def kernel(predict_locs, predict_confs, ground_locs, ground_lables, dboxes):
    return _run(predict_locs, predict_confs, ground_locs, ground_lables, dboxes)

# --- scband reference (transcript-rebuilt; emitter-appended) ---
"""Pipeline reference for scband-loss-15522011808499 (READ-ONLY COPY).

The authoritative reference and input builder live on the scoring server;
editing this copy changes nothing except your own understanding.
"""

import jax, jax.numpy as jnp
import numpy as np

SCALE_XY = 1.0 / 0.1
SCALE_WH = 1.0 / 0.2
B, A, C = 64, 8732, 81


def setup_inputs(seed: int = 0) -> dict:
    key = jax.random.key(seed)
    ks = jax.random.split(key, 5)
    predict_locs = jax.random.normal(ks[0], (B, 4, A), dtype=jnp.float32)
    predict_confs = jax.random.normal(ks[1], (B, C, A), dtype=jnp.float32)
    ground_locs = jax.random.uniform(ks[2], (B, 4, A), dtype=jnp.float32)
    ground_lables = jax.random.randint(ks[3], (B, A), 0, 81, dtype=jnp.int32)
    # default-box parameter; kept away from zero to avoid div-by-zero in the
    # location encoding (wh components are used as divisors)
    dboxes = jax.random.uniform(ks[4], (1, 4, A), minval=0.1, maxval=1.0, dtype=jnp.float32)
    return {
        "predict_locs": predict_locs,
        "predict_confs": predict_confs,
        "ground_locs": ground_locs,
        "ground_lables": ground_lables,
        "dboxes": dboxes,
    }


def reference(predict_locs, predict_confs, ground_locs, ground_lables, dboxes):
    # _location_vec (faithful to source, including its use of loc[:, :2, :] in gwh)
    gxy = SCALE_XY * (ground_locs[:, :2, :] - dboxes[:, :2, :]) / dboxes[:, 2:, :]
    gwh = SCALE_WH * (ground_locs[:, :2, :] - dboxes[:, 2:, :]) / dboxes[:, 2:, :]
    vec_gd = jnp.concatenate((gxy, gwh), axis=1)

    pos_mask = ground_lables > 0                      # [B, A]
    pos_num = pos_mask.sum(axis=1)                    # [B]

    # SmoothL1Loss(reduction='none'), beta=1
    d = predict_locs - vec_gd
    ad = jnp.abs(d)
    sl1 = jnp.where(ad < 1.0, 0.5 * d * d, ad - 0.5)  # [B, 4, A]
    loc_loss = sl1.sum(axis=1)                        # [B, A]
    pos_loc_loss = (pos_mask.astype(jnp.float32) * loc_loss).sum(axis=1)  # [B]

    # CrossEntropyLoss(reduction='none') over class dim=1
    logp = jax.nn.log_softmax(predict_confs, axis=1)  # [B, C, A]
    total_conf_loss = -jnp.take_along_axis(logp, ground_lables[:, None, :], axis=1)[:, 0, :]  # [B, A]

    # hard negative mining
    con_neg = jnp.where(pos_mask, 0.0, total_conf_loss)
    con_rank = jnp.argsort(con_neg, axis=1)           # indices of ascending sort (as in source)
    neg_sum = jnp.minimum(pos_num * 3, B)[:, None]    # clamp max = pos_mask.size(0) as in source
    neg_mask = con_rank < neg_sum

    conf_loss = total_conf_loss * (neg_mask.astype(jnp.float32) + pos_mask.astype(jnp.float32))  # [B, A]
    closs = conf_loss.sum(axis=1)                     # [B]

    total_loss = pos_loc_loss + closs                 # [B]
    num_mask = (pos_num > 0).astype(jnp.float32)
    pos_num_f = jnp.maximum(pos_num.astype(jnp.float32), 1e-6)
    result = (total_loss * num_mask / pos_num_f).mean(axis=0)
    return result

if __name__ == "__main__":
    import jax
    _d = setup_inputs()
    print(jax.jit(kernel)(*tuple(_d.values())))

</pallas_src>

<mosaic_0001>
#map = affine_map<(d0, d1) -> (0, 0, 0)>
#map1 = affine_map<(d0, d1) -> (0, 0)>
module attributes {stable_mosaic.version = 14 : i64} {
  func.func @_loc_tile_body(%arg0: i32, %arg1: i32, %arg2: memref<64x4x8732xf32, #tpu.memory_space<hbm>>, %arg3: memref<64x4x8732xf32, #tpu.memory_space<hbm>>, %arg4: memref<64x8732xi32, #tpu.memory_space<hbm>>, %arg5: memref<1x4x8732xf32, #tpu.memory_space<hbm>>, %arg6: memref<32x2x16xf32, #tpu.memory_space<hbm>>, %arg7: memref<4x8732xf32, #tpu.memory_space<vmem>>, %arg8: memref<4x8732xf32, #tpu.memory_space<vmem>>, %arg9: memref<4x8732xf32, #tpu.memory_space<vmem>>, %arg10: memref<8732xi32, #tpu.memory_space<vmem>>, %arg11: memref<2x16xf32, #tpu.memory_space<vmem>>) attributes {dimension_semantics = [#tpu.dimension_semantics<core_parallel>, #tpu.dimension_semantics<subcore_parallel>], iteration_bounds = array<i64: 2, 16>, scalar_prefetch = 0 : i64, scratch_operands = 5 : i64, tpu.core_type = #tpu.core_type<sc_vector_subcore>, window_params = [{transform_indices = #map}, {transform_indices = #map}, {transform_indices = #map1}, {transform_indices = #map}, {transform_indices = #map}]} {
    %mul3A = arith.constant 2 : i32
    %mul3A_0 = arith.muli %arg1, %mul3A : i32
    %add3A = arith.addi %mul3A_0, %arg0 : i32
    %run_scoped3A = arith.constant 0 : i32
    "tpu.region"() ({
      %run_scoped3A_306 = tpu.sem_alloc : memref<!tpu.dma_semaphore, #tpu.memory_space<semaphore_mem>>
      %dma_start3A = arith.constant 0 : i32
      %dma_start3A_307 = arith.constant 0 : i32
      %dma_start3A_308 = tpu.memref_slice %arg5[%run_scoped3A, %dma_start3A, %dma_start3A_307] : memref<1x4x8732xf32, #tpu.memory_space<hbm>> -> memref<1x4x8732xf32, #tpu.memory_space<hbm>>
      %dma_start3A_309 = tpu.memref_squeeze %dma_start3A_308 : memref<1x4x8732xf32, #tpu.memory_space<hbm>> -> memref<4x8732xf32, #tpu.memory_space<hbm>>
      %dma_start3A_310 = arith.constant 0 : i32
      %dma_start3A_311 = arith.constant 0 : i32
      %dma_start3A_312 = tpu.memref_slice %arg5[%run_scoped3A, %dma_start3A_310, %dma_start3A_311] : memref<1x4x8732xf32, #tpu.memory_space<hbm>> -> memref<1x4x8732xf32, #tpu.memory_space<hbm>>
      %dma_start3A_313 = tpu.memref_squeeze %dma_start3A_312 : memref<1x4x8732xf32, #tpu.memory_space<hbm>> -> memref<4x8732xf32, #tpu.memory_space<hbm>>
      tpu.enqueue_dma source(%dma_start3A_313 : memref<4x8732xf32, #tpu.memory_space<hbm>>) target(%arg9 : memref<4x8732xf32, #tpu.memory_space<vmem>>) target_semaphore(%run_scoped3A_306 : memref<!tpu.dma_semaphore, #tpu.memory_space<semaphore_mem>>)
      %dma_wait3A = arith.constant 0 : i32
      %dma_wait3A_314 = arith.constant 0 : i32
      %dma_wait3A_315 = tpu.memref_slice %arg5[%run_scoped3A, %dma_wait3A, %dma_wait3A_314] : memref<1x4x8732xf32, #tpu.memory_space<hbm>> -> memref<1x4x8732xf32, #tpu.memory_space<hbm>>
      %dma_wait3A_316 = tpu.memref_squeeze %dma_wait3A_315 : memref<1x4x8732xf32, #tpu.memory_space<hbm>> -> memref<4x8732xf32, #tpu.memory_space<hbm>>
      %dma_wait3A_317 = arith.constant 0 : i32
      %dma_wait3A_318 = arith.constant 0 : i32
      %dma_wait3A_319 = tpu.memref_slice %arg5[%run_scoped3A, %dma_wait3A_317, %dma_wait3A_318] : memref<1x4x8732xf32, #tpu.memory_space<hbm>> -> memref<1x4x8732xf32, #tpu.memory_space<hbm>>
      %dma_wait3A_320 = tpu.memref_squeeze %dma_wait3A_319 : memref<1x4x8732xf32, #tpu.memory_space<hbm>> -> memref<4x8732xf32, #tpu.memory_space<hbm>>
      tpu.wait_dma2 semaphore(%run_scoped3A_306 : memref<!tpu.dma_semaphore, #tpu.memory_space<semaphore_mem>>) src(%dma_wait3A_320 : memref<4x8732xf32, #tpu.memory_space<hbm>>) dst(%arg9 : memref<4x8732xf32, #tpu.memory_space<vmem>>)
      tpu.yield
    }) : () -> ()
    %iota3A = tpu.iota {dimensions = array<i32: 0>} : vector<16xi32>
    %mul3A_1 = arith.constant 2 : i32
    %mul3A_2 = arith.muli %add3A, %mul3A_1 : i32
    "tpu.region"() ({
      %run_scoped3A_306 = tpu.sem_alloc : memref<!tpu.dma_semaphore, #tpu.memory_space<semaphore_mem>>
      %dma_start3A = arith.constant 0 : i32
      %dma_start3A_307 = arith.constant 0 : i32
      %dma_start3A_308 = tpu.memref_slice %arg2[%mul3A_2, %dma_start3A, %dma_start3A_307] : memref<64x4x8732xf32, #tpu.memory_space<hbm>> -> memref<1x4x8732xf32, #tpu.memory_space<hbm>>
      %dma_start3A_309 = tpu.memref_squeeze %dma_start3A_308 : memref<1x4x8732xf32, #tpu.memory_space<hbm>> -> memref<4x8732xf32, #tpu.memory_space<hbm>>
      %dma_start3A_310 = arith.constant 0 : i32
      %dma_start3A_311 = arith.constant 0 : i32
      %dma_start3A_312 = tpu.memref_slice %arg2[%mul3A_2, %dma_start3A_310, %dma_start3A_311] : memref<64x4x8732xf32, #tpu.memory_space<hbm>> -> memref<1x4x8732xf32, #tpu.memory_space<hbm>>
      %dma_start3A_313 = tpu.memref_squeeze %dma_start3A_312 : memref<1x4x8732xf32, #tpu.memory_space<hbm>> -> memref<4x8732xf32, #tpu.memory_space<hbm>>
      tpu.enqueue_dma source(%dma_start3A_313 : memref<4x8732xf32, #tpu.memory_space<hbm>>) target(%arg7 : memref<4x8732xf32, #tpu.memory_space<vmem>>) target_semaphore(%run_scoped3A_306 : memref<!tpu.dma_semaphore, #tpu.memory_space<semaphore_mem>>)
      %dma_wait3A = arith.constant 0 : i32
      %dma_wait3A_314 = arith.constant 0 : i32
      %dma_wait3A_315 = tpu.memref_slice %arg2[%mul3A_2, %dma_wait3A, %dma_wait3A_314] : memref<64x4x8732xf32, #tpu.memory_space<hbm>> -> memref<1x4x8732xf32, #tpu.memory_space<hbm>>
      %dma_wait3A_316 = tpu.memref_squeeze %dma_wait3A_315 : memref<1x4x8732xf32, #tpu.memory_space<hbm>> -> memref<4x8732xf32, #tpu.memory_space<hbm>>
      %dma_wait3A_317 = arith.constant 0 : i32
      %dma_wait3A_318 = arith.constant 0 : i32
      %dma_wait3A_319 = tpu.memref_slice %arg2[%mul3A_2, %dma_wait3A_317, %dma_wait3A_318] : memref<64x4x8732xf32, #tpu.memory_space<hbm>> -> memref<1x4x8732xf32, #tpu.memory_space<hbm>>
      %dma_wait3A_320 = tpu.memref_squeeze %dma_wait3A_319 : memref<1x4x8732xf32, #tpu.memory_space<hbm>> -> memref<4x8732xf32, #tpu.memory_space<hbm>>
      tpu.wait_dma2 semaphore(%run_scoped3A_306 : memref<!tpu.dma_semaphore, #tpu.memory_space<semaphore_mem>>) src(%dma_wait3A_320 : memref<4x8732xf32, #tpu.memory_space<hbm>>) dst(%arg7 : memref<4x8732xf32, #tpu.memory_space<vmem>>)
      tpu.yield
    }) : () -> ()
    "tpu.region"() ({
      %run_scoped3A_306 = tpu.sem_alloc : memref<!tpu.dma_semaphore, #tpu.memory_space<semaphore_mem>>
      %dma_start3A = arith.constant 0 : i32
      %dma_start3A_307 = arith.constant 0 : i32
      %dma_start3A_308 = tpu.memref_slice %arg3[%mul3A_2, %dma_start3A, %dma_start3A_307] : memref<64x4x8732xf32, #tpu.memory_space<hbm>> -> memref<1x4x8732xf32, #tpu.memory_space<hbm>>
      %dma_start3A_309 = tpu.memref_squeeze %dma_start3A_308 : memref<1x4x8732xf32, #tpu.memory_space<hbm>> -> memref<4x8732xf32, #tpu.memory_space<hbm>>
      %dma_start3A_310 = arith.constant 0 : i32
      %dma_start3A_311 = arith.constant 0 : i32
      %dma_start3A_312 = tpu.memref_slice %arg3[%mul3A_2, %dma_start3A_310, %dma_start3A_311] : memref<64x4x8732xf32, #tpu.memory_space<hbm>> -> memref<1x4x8732xf32, #tpu.memory_space<hbm>>
      %dma_start3A_313 = tpu.memref_squeeze %dma_start3A_312 : memref<1x4x8732xf32, #tpu.memory_space<hbm>> -> memref<4x8732xf32, #tpu.memory_space<hbm>>
      tpu.enqueue_dma source(%dma_start3A_313 : memref<4x8732xf32, #tpu.memory_space<hbm>>) target(%arg8 : memref<4x8732xf32, #tpu.memory_space<vmem>>) target_semaphore(%run_scoped3A_306 : memref<!tpu.dma_semaphore, #tpu.memory_space<semaphore_mem>>)
      %dma_wait3A = arith.constant 0 : i32
      %dma_wait3A_314 = arith.constant 0 : i32
      %dma_wait3A_315 = tpu.memref_slice %arg3[%mul3A_2, %dma_wait3A, %dma_wait3A_314] : memref<64x4x8732xf32, #tpu.memory_space<hbm>> -> memref<1x4x8732xf32, #tpu.memory_space<hbm>>
      %dma_wait3A_316 = tpu.memref_squeeze %dma_wait3A_315 : memref<1x4x8732xf32, #tpu.memory_space<hbm>> -> memref<4x8732xf32, #tpu.memory_space<hbm>>
      %dma_wait3A_317 = arith.constant 0 : i32
      %dma_wait3A_318 = arith.constant 0 : i32
      %dma_wait3A_319 = tpu.memref_slice %arg3[%mul3A_2, %dma_wait3A_317, %dma_wait3A_318] : memref<64x4x8732xf32, #tpu.memory_space<hbm>> -> memref<1x4x8732xf32, #tpu.memory_space<hbm>>
      %dma_wait3A_320 = tpu.memref_squeeze %dma_wait3A_319 : memref<1x4x8732xf32, #tpu.memory_space<hbm>> -> memref<4x8732xf32, #tpu.memory_space<hbm>>
      tpu.wait_dma2 semaphore(%run_scoped3A_306 : memref<!tpu.dma_semaphore, #tpu.memory_space<semaphore_mem>>) src(%dma_wait3A_320 : memref<4x8732xf32, #tpu.memory_space<hbm>>) dst(%arg8 : memref<4x8732xf32, #tpu.memory_space<vmem>>)
      tpu.yield
    }) : () -> ()
    "tpu.region"() ({
      %run_scoped3A_306 = tpu.sem_alloc : memref<!tpu.dma_semaphore, #tpu.memory_space<semaphore_mem>>
      %dma_start3A = arith.constant 0 : i32
      %dma_start3A_307 = tpu.memref_slice %arg4[%mul3A_2, %dma_start3A] : memref<64x8732xi32, #tpu.memory_space<hbm>> -> memref<1x8732xi32, #tpu.memory_space<hbm>>
      %dma_start3A_308 = tpu.memref_squeeze %dma_start3A_307 : memref<1x8732xi32, #tpu.memory_space<hbm>> -> memref<8732xi32, #tpu.memory_space<hbm>>
      %dma_start3A_309 = arith.constant 0 : i32
      %dma_start3A_310 = tpu.memref_slice %arg4[%mul3A_2, %dma_start3A_309] : memref<64x8732xi32, #tpu.memory_space<hbm>> -> memref<1x8732xi32, #tpu.memory_space<hbm>>
      %dma_start3A_311 = tpu.memref_squeeze %dma_start3A_310 : memref<1x8732xi32, #tpu.memory_space<hbm>> -> memref<8732xi32, #tpu.memory_space<hbm>>
      tpu.enqueue_dma source(%dma_start3A_311 : memref<8732xi32, #tpu.memory_space<hbm>>) target(%arg10 : memref<8732xi32, #tpu.memory_space<vmem>>) target_semaphore(%run_scoped3A_306 : memref<!tpu.dma_semaphore, #tpu.memory_space<semaphore_mem>>)
      %dma_wait3A = arith.constant 0 : i32
      %dma_wait3A_312 = tpu.memref_slice %arg4[%mul3A_2, %dma_wait3A] : memref<64x8732xi32, #tpu.memory_space<hbm>> -> memref<1x8732xi32, #tpu.memory_space<hbm>>
      %dma_wait3A_313 = tpu.memref_squeeze %dma_wait3A_312 : memref<1x8732xi32, #tpu.memory_space<hbm>> -> memref<8732xi32, #tpu.memory_space<hbm>>
      %dma_wait3A_314 = arith.constant 0 : i32
      %dma_wait3A_315 = tpu.memref_slice %arg4[%mul3A_2, %dma_wait3A_314] : memref<64x8732xi32, #tpu.memory_space<hbm>> -> memref<1x8732xi32, #tpu.memory_space<hbm>>
      %dma_wait3A_316 = tpu.memref_squeeze %dma_wait3A_315 : memref<1x8732xi32, #tpu.memory_space<hbm>> -> memref<8732xi32, #tpu.memory_space<hbm>>
      tpu.wait_dma2 semaphore(%run_scoped3A_306 : memref<!tpu.dma_semaphore, #tpu.memory_space<semaphore_mem>>) src(%dma_wait3A_316 : memref<8732xi32, #tpu.memory_space<hbm>>) dst(%arg10 : memref<8732xi32, #tpu.memory_space<vmem>>)
      tpu.yield
    }) : () -> ()
    %broadcast_in_dim3A = arith.constant 0.000000e+00 : f32
    %broadcast_in_dim3A_3 = vector.broadcast %broadcast_in_dim3A : f32 to vector<16xf32>
    %scan3A = arith.constant 0 : i32
    %scan3A_4 = arith.constant 545 : i32
    %scan3A_5 = arith.addi %scan3A, %scan3A_4 : i32
    %scan3A_6 = arith.constant 1 : i32
    %scan3A_7 = scf.for %scan3A_306 = %scan3A to %scan3A_5 step %scan3A_6 iter_args(%scan3A_307 = %broadcast_in_dim3A_3) -> (vector<16xf32>)  : i32 {
      %mul3A_308 = arith.constant 16 : i32
      %mul3A_309 = arith.muli %scan3A_306, %mul3A_308 : i32
      %ge3A_310 = arith.constant 0 : i32
      %ge3A_311 = vector.broadcast %ge3A_310 : i32 to vector<16xi32>
      %ge3A_312 = arith.cmpi sge, %iota3A, %ge3A_311 : vector<16xi32>
      %get3A_313 = arith.constant 0 : i32
      %get3A_314 = arith.index_cast %get3A_313 : i32 to index
      %get3A_315 = arith.index_cast %mul3A_309 : i32 to index
      %get3A_316 = tpu.vector_load %arg8[%get3A_314, %get3A_315] {strides = array<i32>} : memref<4x8732xf32, #tpu.memory_space<vmem>>, vector<1x16xf32>,
      %get3A_317 = vector.shape_cast %get3A_316 : vector<1x16xf32> to vector<16xf32>
      %get3A_318 = arith.constant 1 : i32
      %get3A_319 = arith.index_cast %get3A_318 : i32 to index
      %get3A_320 = arith.index_cast %mul3A_309 : i32 to index
      %get3A_321 = tpu.vector_load %arg8[%get3A_319, %get3A_320] {strides = array<i32>} : memref<4x8732xf32, #tpu.memory_space<vmem>>, vector<1x16xf32>,
      %get3A_322 = vector.shape_cast %get3A_321 : vector<1x16xf32> to vector<16xf32>
      %get3A_323 = arith.constant 0 : i32
      %get3A_324 = arith.index_cast %get3A_323 : i32 to index
      %get3A_325 = arith.index_cast %mul3A_309 : i32 to index
      %get3A_326 = tpu.vector_load %arg9[%get3A_324, %get3A_325] {strides = array<i32>} : memref<4x8732xf32, #tpu.memory_space<vmem>>, vector<1x16xf32>,
      %get3A_327 = vector.shape_cast %get3A_326 : vector<1x16xf32> to vector<16xf32>
      %get3A_328 = arith.constant 1 : i32
      %get3A_329 = arith.index_cast %get3A_328 : i32 to index
      %get3A_330 = arith.index_cast %mul3A_309 : i32 to index
      %get3A_331 = tpu.vector_load %arg9[%get3A_329, %get3A_330] {strides = array<i32>} : memref<4x8732xf32, #tpu.memory_space<vmem>>, vector<1x16xf32>,
      %get3A_332 = vector.shape_cast %get3A_331 : vector<1x16xf32> to vector<16xf32>
      %get3A_333 = arith.constant 2 : i32
      %get3A_334 = arith.index_cast %get3A_333 : i32 to index
      %get3A_335 = arith.index_cast %mul3A_309 : i32 to index
      %get3A_336 = tpu.vector_load %arg9[%get3A_334, %get3A_335] {strides = array<i32>} : memref<4x8732xf32, #tpu.memory_space<vmem>>, vector<1x16xf32>,
      %get3A_337 = vector.shape_cast %get3A_336 : vector<1x16xf32> to vector<16xf32>
      %get3A_338 = arith.constant 3 : i32
      %get3A_339 = arith.index_cast %get3A_338 : i32 to index
      %get3A_340 = arith.index_cast %mul3A_309 : i32 to index
      %get3A_341 = tpu.vector_load %arg9[%get3A_339, %get3A_340] {strides = array<i32>} : memref<4x8732xf32, #tpu.memory_space<vmem>>, vector<1x16xf32>,
      %get3A_342 = vector.shape_cast %get3A_341 : vector<1x16xf32> to vector<16xf32>
      %sub3A_343 = arith.subf %get3A_317, %get3A_327 : vector<16xf32>
      %mul3A_344 = arith.constant 1.000000e+01 : f32
      %mul3A_345 = vector.broadcast %mul3A_344 : f32 to vector<16xf32>
      %mul3A_346 = arith.mulf %mul3A_345, %sub3A_343 : vector<16xf32>
      %div3A_347 = arith.divf %mul3A_346, %get3A_337 : vector<16xf32>
      %sub3A_348 = arith.subf %get3A_322, %get3A_332 : vector<16xf32>
      %mul3A_349 = arith.constant 1.000000e+01 : f32
      %mul3A_350 = vector.broadcast %mul3A_349 : f32 to vector<16xf32>
      %mul3A_351 = arith.mulf %mul3A_350, %sub3A_348 : vector<16xf32>
      %div3A_352 = arith.divf %mul3A_351, %get3A_342 : vector<16xf32>
      %sub3A_353 = arith.subf %get3A_317, %get3A_337 : vector<16xf32>
      %mul3A_354 = arith.constant 5.000000e+00 : f32
      %mul3A_355 = vector.broadcast %mul3A_354 : f32 to vector<16xf32>
      %mul3A_356 = arith.mulf %mul3A_355, %sub3A_353 : vector<16xf32>
      %div3A_357 = arith.divf %mul3A_356, %get3A_337 : vector<16xf32>
      %sub3A_358 = arith.subf %get3A_322, %get3A_342 : vector<16xf32>
      %mul3A_359 = arith.constant 5.000000e+00 : f32
      %mul3A_360 = vector.broadcast %mul3A_359 : f32 to vector<16xf32>
      %mul3A_361 = arith.mulf %mul3A_360, %sub3A_358 : vector<16xf32>
      %div3A_362 = arith.divf %mul3A_361, %get3A_342 : vector<16xf32>
      %broadcast_in_dim3A_363 = arith.constant 0.000000e+00 : f32
      %broadcast_in_dim3A_364 = vector.broadcast %broadcast_in_dim3A_363 : f32 to vector<16xf32>
      %get3A_365 = arith.constant 0 : i32
      %get3A_366 = arith.index_cast %get3A_365 : i32 to index
      %get3A_367 = arith.index_cast %mul3A_309 : i32 to index
      %get3A_368 = tpu.vector_load %arg7[%get3A_366, %get3A_367] {strides = array<i32>} : memref<4x8732xf32, #tpu.memory_space<vmem>>, vector<1x16xf32>,
      %get3A_369 = vector.shape_cast %get3A_368 : vector<1x16xf32> to vector<16xf32>
      %sub3A_370 = arith.subf %get3A_369, %div3A_347 : vector<16xf32>
      %abs3A_371 = math.absf %sub3A_370 : vector<16xf32>
      %lt3A_372 = arith.constant 1.000000e+00 : f32
      %lt3A_373 = vector.broadcast %lt3A_372 : f32 to vector<16xf32>
      %lt3A_374 = arith.cmpf olt, %abs3A_371, %lt3A_373 : vector<16xf32>
      %mul3A_375 = arith.constant 5.000000e-01 : f32
      %mul3A_376 = vector.broadcast %mul3A_375 : f32 to vector<16xf32>
      %mul3A_377 = arith.mulf %mul3A_376, %sub3A_370 : vector<16xf32>
      %mul3A_378 = arith.mulf %mul3A_377, %sub3A_370 : vector<16xf32>
      %sub3A_379 = arith.constant 5.000000e-01 : f32
      %sub3A_380 = vector.broadcast %sub3A_379 : f32 to vector<16xf32>
      %sub3A_381 = arith.subf %abs3A_371, %sub3A_380 : vector<16xf32>
      %select_n3A_382 = arith.select %lt3A_374, %mul3A_378, %sub3A_381 : vector<16xi1>, vector<16xf32>
      %add3A_383 = arith.addf %broadcast_in_dim3A_364, %select_n3A_382 : vector<16xf32>
      %get3A_384 = arith.constant 1 : i32
      %get3A_385 = arith.index_cast %get3A_384 : i32 to index
      %get3A_386 = arith.index_cast %mul3A_309 : i32 to index
      %get3A_387 = tpu.vector_load %arg7[%get3A_385, %get3A_386] {strides = array<i32>} : memref<4x8732xf32, #tpu.memory_space<vmem>>, vector<1x16xf32>,
      %get3A_388 = vector.shape_cast %get3A_387 : vector<1x16xf32> to vector<16xf32>
      %sub3A_389 = arith.subf %get3A_388, %div3A_352 : vector<16xf32>
      %abs3A_390 = math.absf %sub3A_389 : vector<16xf32>
      %lt3A_391 = arith.constant 1.000000e+00 : f32
      %lt3A_392 = vector.broadcast %lt3A_391 : f32 to vector<16xf32>
      %lt3A_393 = arith.cmpf olt, %abs3A_390, %lt3A_392 : vector<16xf32>
      %mul3A_394 = arith.constant 5.000000e-01 : f32
      %mul3A_395 = vector.broadcast %mul3A_394 : f32 to vector<16xf32>
      %mul3A_396 = arith.mulf %mul3A_395, %sub3A_389 : vector<16xf32>
      %mul3A_397 = arith.mulf %mul3A_396, %sub3A_389 : vector<16xf32>
      %sub3A_398 = arith.constant 5.000000e-01 : f32
      %sub3A_399 = vector.broadcast %sub3A_398 : f32 to vector<16xf32>
      %sub3A_400 = arith.subf %abs3A_390, %sub3A_399 : vector<16xf32>
      %select_n3A_401 = arith.select %lt3A_393, %mul3A_397, %sub3A_400 : vector<16xi1>, vector<16xf32>
      %add3A_402 = arith.addf %add3A_383, %select_n3A_401 : vector<16xf32>
      %get3A_403 = arith.constant 2 : i32
      %get3A_404 = arith.index_cast %get3A_403 : i32 to index
      %get3A_405 = arith.index_cast %mul3A_309 : i32 to index
      %get3A_406 = tpu.vector_load %arg7[%get3A_404, %get3A_405] {strides = array<i32>} : memref<4x8732xf32, #tpu.memory_space<vmem>>, vector<1x16xf32>,
      %get3A_407 = vector.shape_cast %get3A_406 : vector<1x16xf32> to vector<16xf32>
      %sub3A_408 = arith.subf %get3A_407, %div3A_357 : vector<16xf32>
      %abs3A_409 = math.absf %sub3A_408 : vector<16xf32>
      %lt3A_410 = arith.constant 1.000000e+00 : f32
      %lt3A_411 = vector.broadcast %lt3A_410 : f32 to vector<16xf32>
      %lt3A_412 = arith.cmpf olt, %abs3A_409, %lt3A_411 : vector<16xf32>
      %mul3A_413 = arith.constant 5.000000e-01 : f32
      %mul3A_414 = vector.broadcast %mul3A_413 : f32 to vector<16xf32>
      %mul3A_415 = arith.mulf %mul3A_414, %sub3A_408 : vector<16xf32>
      %mul3A_416 = arith.mulf %mul3A_415, %sub3A_408 : vector<16xf32>
      %sub3A_417 = arith.constant 5.000000e-01 : f32
      %sub3A_418 = vector.broadcast %sub3A_417 : f32 to vector<16xf32>
      %sub3A_419 = arith.subf %abs3A_409, %sub3A_418 : vector<16xf32>
      %select_n3A_420 = arith.select %lt3A_412, %mul3A_416, %sub3A_419 : vector<16xi1>, vector<16xf32>
      %add3A_421 = arith.addf %add3A_402, %select_n3A_420 : vector<16xf32>
      %get3A_422 = arith.constant 3 : i32
      %get3A_423 = arith.index_cast %get3A_422 : i32 to index
      %get3A_424 = arith.index_cast %mul3A_309 : i32 to index
      %get3A_425 = tpu.vector_load %arg7[%get3A_423, %get3A_424] {strides = array<i32>} : memref<4x8732xf32, #tpu.memory_space<vmem>>, vector<1x16xf32>,
      %get3A_426 = vector.shape_cast %get3A_425 : vector<1x16xf32> to vector<16xf32>
      %sub3A_427 = arith.subf %get3A_426, %div3A_362 : vector<16xf32>
      %abs3A_428 = math.absf %sub3A_427 : vector<16xf32>
      %lt3A_429 = arith.constant 1.000000e+00 : f32
      %lt3A_430 = vector.broadcast %lt3A_429 : f32 to vector<16xf32>
      %lt3A_431 = arith.cmpf olt, %abs3A_428, %lt3A_430 : vector<16xf32>
      %mul3A_432 = arith.constant 5.000000e-01 : f32
      %mul3A_433 = vector.broadcast %mul3A_432 : f32 to vector<16xf32>
      %mul3A_434 = arith.mulf %mul3A_433, %sub3A_427 : vector<16xf32>
      %mul3A_435 = arith.mulf %mul3A_434, %sub3A_427 : vector<16xf32>
      %sub3A_436 = arith.constant 5.000000e-01 : f32
      %sub3A_437 = vector.broadcast %sub3A_436 : f32 to vector<16xf32>
      %sub3A_438 = arith.subf %abs3A_428, %sub3A_437 : vector<16xf32>
      %select_n3A_439 = arith.select %lt3A_431, %mul3A_435, %sub3A_438 : vector<16xi1>, vector<16xf32>
      %add3A_440 = arith.addf %add3A_421, %select_n3A_439 : vector<16xf32>
      %get3A_441 = arith.index_cast %mul3A_309 : i32 to index
      %get3A_442 = tpu.vector_load %arg10[%get3A_441] {strides = array<i32>} : memref<8732xi32, #tpu.memory_space<vmem>>, vector<16xi32>,
      %get3A_443 = vector.shape_cast %get3A_442 : vector<16xi32> to vector<16xi32>
      %gt3A_444 = arith.constant 0 : i32
      %gt3A_445 = vector.broadcast %gt3A_444 : i32 to vector<16xi32>
      %gt3A_446 = arith.cmpi sgt, %get3A_443, %gt3A_445 : vector<16xi32>
      %and3A_447 = arith.andi %gt3A_446, %ge3A_312 : vector<16xi1>
      %jit3A_448 = arith.constant 0.000000e+00 : f32
      %broadcast_in_dim3A_449 = vector.broadcast %jit3A_448 : f32 to vector<16xf32>
      %select_n3A_450 = arith.select %and3A_447, %add3A_440, %broadcast_in_dim3A_449 : vector<16xi1>, vector<16xf32>
      %add3A_451 = arith.addf %scan3A_307, %select_n3A_450 : vector<16xf32>
      scf.yield %add3A_451 : vector<16xf32>
    }
    %scan3A_8 = arith.constant 545 : i32
    %ge3A = arith.constant 4 : i32
    %ge3A_9 = vector.broadcast %ge3A : i32 to vector<16xi32>
    %ge3A_10 = arith.cmpi sge, %iota3A, %ge3A_9 : vector<16xi32>
    %get3A = arith.constant 0 : i32
    %get3A_11 = arith.index_cast %get3A : i32 to index
    %get3A_12 = arith.constant 8716 : index
    %get3A_13 = tpu.vector_load %arg8[%get3A_11, %get3A_12] {strides = array<i32>} : memref<4x8732xf32, #tpu.memory_space<vmem>>, vector<1x16xf32>,
    %get3A_14 = vector.shape_cast %get3A_13 : vector<1x16xf32> to vector<16xf32>
    %get3A_15 = arith.constant 1 : i32
    %get3A_16 = arith.index_cast %get3A_15 : i32 to index
    %get3A_17 = arith.constant 8716 : index
    %get3A_18 = tpu.vector_load %arg8[%get3A_16, %get3A_17] {strides = array<i32>} : memref<4x8732xf32, #tpu.memory_space<vmem>>, vector<1x16xf32>,
    %get3A_19 = vector.shape_cast %get3A_18 : vector<1x16xf32> to vector<16xf32>
    %get3A_20 = arith.constant 0 : i32
    %get3A_21 = arith.index_cast %get3A_20 : i32 to index
    %get3A_22 = arith.constant 8716 : index
    %get3A_23 = tpu.vector_load %arg9[%get3A_21, %get3A_22] {strides = array<i32>} : memref<4x8732xf32, #tpu.memory_space<vmem>>, vector<1x16xf32>,
    %get3A_24 = vector.shape_cast %get3A_23 : vector<1x16xf32> to vector<16xf32>
    %get3A_25 = arith.constant 1 : i32
    %get3A_26 = arith.index_cast %get3A_25 : i32 to index
    %get3A_27 = arith.constant 8716 : index
    %get3A_28 = tpu.vector_load %arg9[%get3A_26, %get3A_27] {strides = array<i32>} : memref<4x8732xf32, #tpu.memory_space<vmem>>, vector<1x16xf32>,
    %get3A_29 = vector.shape_cast %get3A_28 : vector<1x16xf32> to vector<16xf32>
    %get3A_30 = arith.constant 2 : i32
    %get3A_31 = arith.index_cast %get3A_30 : i32 to index
    %get3A_32 = arith.constant 8716 : index
    %get3A_33 = tpu.vector_load %arg9[%get3A_31, %get3A_32] {strides = array<i32>} : memref<4x8732xf32, #tpu.memory_space<vmem>>, vector<1x16xf32>,
    %get3A_34 = vector.shape_cast %get3A_33 : vector<1x16xf32> to vector<16xf32>
    %get3A_35 = arith.constant 3 : i32
    %get3A_36 = arith.index_cast %get3A_35 : i32 to index
    %get3A_37 = arith.constant 8716 : index
    %get3A_38 = tpu.vector_load %arg9[%get3A_36, %get3A_37] {strides = array<i32>} : memref<4x8732xf32, #tpu.memory_space<vmem>>, vector<1x16xf32>,
    %get3A_39 = vector.shape_cast %get3A_38 : vector<1x16xf32> to vector<16xf32>
    %sub3A = arith.subf %get3A_14, %get3A_24 : vector<16xf32>
    %mul3A_40 = arith.constant 1.000000e+01 : f32
    %mul3A_41 = vector.broadcast %mul3A_40 : f32 to vector<16xf32>
    %mul3A_42 = arith.mulf %mul3A_41, %sub3A : vector<16xf32>
    %div3A = arith.divf %mul3A_42, %get3A_34 : vector<16xf32>
    %sub3A_43 = arith.subf %get3A_19, %get3A_29 : vector<16xf32>
    %mul3A_44 = arith.constant 1.000000e+01 : f32
    %mul3A_45 = vector.broadcast %mul3A_44 : f32 to vector<16xf32>
    %mul3A_46 = arith.mulf %mul3A_45, %sub3A_43 : vector<16xf32>
    %div3A_47 = arith.divf %mul3A_46, %get3A_39 : vector<16xf32>
    %sub3A_48 = arith.subf %get3A_14, %get3A_34 : vector<16xf32>
    %mul3A_49 = arith.constant 5.000000e+00 : f32
    %mul3A_50 = vector.broadcast %mul3A_49 : f32 to vector<16xf32>
    %mul3A_51 = arith.mulf %mul3A_50, %sub3A_48 : vector<16xf32>
    %div3A_52 = arith.divf %mul3A_51, %get3A_34 : vector<16xf32>
    %sub3A_53 = arith.subf %get3A_19, %get3A_39 : vector<16xf32>
    %mul3A_54 = arith.constant 5.000000e+00 : f32
    %mul3A_55 = vector.broadcast %mul3A_54 : f32 to vector<16xf32>
    %mul3A_56 = arith.mulf %mul3A_55, %sub3A_53 : vector<16xf32>
    %div3A_57 = arith.divf %mul3A_56, %get3A_39 : vector<16xf32>
    %broadcast_in_dim3A_58 = arith.constant 0.000000e+00 : f32
    %broadcast_in_dim3A_59 = vector.broadcast %broadcast_in_dim3A_58 : f32 to vector<16xf32>
    %get3A_60 = arith.constant 0 : i32
    %get3A_61 = arith.index_cast %get3A_60 : i32 to index
    %get3A_62 = arith.constant 8716 : index
    %get3A_63 = tpu.vector_load %arg7[%get3A_61, %get3A_62] {strides = array<i32>} : memref<4x8732xf32, #tpu.memory_space<vmem>>, vector<1x16xf32>,
    %get3A_64 = vector.shape_cast %get3A_63 : vector<1x16xf32> to vector<16xf32>
    %sub3A_65 = arith.subf %get3A_64, %div3A : vector<16xf32>
    %abs3A = math.absf %sub3A_65 : vector<16xf32>
    %lt3A = arith.constant 1.000000e+00 : f32
    %lt3A_66 = vector.broadcast %lt3A : f32 to vector<16xf32>
    %lt3A_67 = arith.cmpf olt, %abs3A, %lt3A_66 : vector<16xf32>
    %mul3A_68 = arith.constant 5.000000e-01 : f32
    %mul3A_69 = vector.broadcast %mul3A_68 : f32 to vector<16xf32>
    %mul3A_70 = arith.mulf %mul3A_69, %sub3A_65 : vector<16xf32>
    %mul3A_71 = arith.mulf %mul3A_70, %sub3A_65 : vector<16xf32>
    %sub3A_72 = arith.constant 5.000000e-01 : f32
    %sub3A_73 = vector.broadcast %sub3A_72 : f32 to vector<16xf32>
    %sub3A_74 = arith.subf %abs3A, %sub3A_73 : vector<16xf32>
    %select_n3A = arith.select %lt3A_67, %mul3A_71, %sub3A_74 : vector<16xi1>, vector<16xf32>
    %add3A_75 = arith.addf %broadcast_in_dim3A_59, %select_n3A : vector<16xf32>
    %get3A_76 = arith.constant 1 : i32
    %get3A_77 = arith.index_cast %get3A_76 : i32 to index
    %get3A_78 = arith.constant 8716 : index
    %get3A_79 = tpu.vector_load %arg7[%get3A_77, %get3A_78] {strides = array<i32>} : memref<4x8732xf32, #tpu.memory_space<vmem>>, vector<1x16xf32>,
    %get3A_80 = vector.shape_cast %get3A_79 : vector<1x16xf32> to vector<16xf32>
    %sub3A_81 = arith.subf %get3A_80, %div3A_47 : vector<16xf32>
    %abs3A_82 = math.absf %sub3A_81 : vector<16xf32>
    %lt3A_83 = arith.constant 1.000000e+00 : f32
    %lt3A_84 = vector.broadcast %lt3A_83 : f32 to vector<16xf32>
    %lt3A_85 = arith.cmpf olt, %abs3A_82, %lt3A_84 : vector<16xf32>
    %mul3A_86 = arith.constant 5.000000e-01 : f32
    %mul3A_87 = vector.broadcast %mul3A_86 : f32 to vector<16xf32>
    %mul3A_88 = arith.mulf %mul3A_87, %sub3A_81 : vector<16xf32>
    %mul3A_89 = arith.mulf %mul3A_88, %sub3A_81 : vector<16xf32>
    %sub3A_90 = arith.constant 5.000000e-01 : f32
    %sub3A_91 = vector.broadcast %sub3A_90 : f32 to vector<16xf32>
    %sub3A_92 = arith.subf %abs3A_82, %sub3A_91 : vector<16xf32>
    %select_n3A_93 = arith.select %lt3A_85, %mul3A_89, %sub3A_92 : vector<16xi1>, vector<16xf32>
    %add3A_94 = arith.addf %add3A_75, %select_n3A_93 : vector<16xf32>
    %get3A_95 = arith.constant 2 : i32
    %get3A_96 = arith.index_cast %get3A_95 : i32 to index
    %get3A_97 = arith.constant 8716 : index
    %get3A_98 = tpu.vector_load %arg7[%get3A_96, %get3A_97] {strides = array<i32>} : memref<4x8732xf32, #tpu.memory_space<vmem>>, vector<1x16xf32>,
    %get3A_99 = vector.shape_cast %get3A_98 : vector<1x16xf32> to vector<16xf32>
    %sub3A_100 = arith.subf %get3A_99, %div3A_52 : vector<16xf32>
    %abs3A_101 = math.absf %sub3A_100 : vector<16xf32>
    %lt3A_102 = arith.constant 1.000000e+00 : f32
    %lt3A_103 = vector.broadcast %lt3A_102 : f32 to vector<16xf32>
    %lt3A_104 = arith.cmpf olt, %abs3A_101, %lt3A_103 : vector<16xf32>
    %mul3A_105 = arith.constant 5.000000e-01 : f32
    %mul3A_106 = vector.broadcast %mul3A_105 : f32 to vector<16xf32>
    %mul3A_107 = arith.mulf %mul3A_106, %sub3A_100 : vector<16xf32>
    %mul3A_108 = arith.mulf %mul3A_107, %sub3A_100 : vector<16xf32>
    %sub3A_109 = arith.constant 5.000000e-01 : f32
    %sub3A_110 = vector.broadcast %sub3A_109 : f32 to vector<16xf32>
    %sub3A_111 = arith.subf %abs3A_101, %sub3A_110 : vector<16xf32>
    %select_n3A_112 = arith.select %lt3A_104, %mul3A_108, %sub3A_111 : vector<16xi1>, vector<16xf32>
    %add3A_113 = arith.addf %add3A_94, %select_n3A_112 : vector<16xf32>
    %get3A_114 = arith.constant 3 : i32
    %get3A_115 = arith.index_cast %get3A_114 : i32 to index
    %get3A_116 = arith.constant 8716 : index
    %get3A_117 = tpu.vector_load %arg7[%get3A_115, %get3A_116] {strides = array<i32>} : memref<4x8732xf32, #tpu.memory_space<vmem>>, vector<1x16xf32>,
    %get3A_118 = vector.shape_cast %get3A_117 : vector<1x16xf32> to vector<16xf32>
    %sub3A_119 = arith.subf %get3A_118, %div3A_57 : vector<16xf32>
    %abs3A_120 = math.absf %sub3A_119 : vector<16xf32>
    %lt3A_121 = arith.constant 1.000000e+00 : f32
    %lt3A_122 = vector.broadcast %lt3A_121 : f32 to vector<16xf32>
    %lt3A_123 = arith.cmpf olt, %abs3A_120, %lt3A_122 : vector<16xf32>
    %mul3A_124 = arith.constant 5.000000e-01 : f32
    %mul3A_125 = vector.broadcast %mul3A_124 : f32 to vector<16xf32>
    %mul3A_126 = arith.mulf %mul3A_125, %sub3A_119 : vector<16xf32>
    %mul3A_127 = arith.mulf %mul3A_126, %sub3A_119 : vector<16xf32>
    %sub3A_128 = arith.constant 5.000000e-01 : f32
    %sub3A_129 = vector.broadcast %sub3A_128 : f32 to vector<16xf32>
    %sub3A_130 = arith.subf %abs3A_120, %sub3A_129 : vector<16xf32>
    %select_n3A_131 = arith.select %lt3A_123, %mul3A_127, %sub3A_130 : vector<16xi1>, vector<16xf32>
    %add3A_132 = arith.addf %add3A_113, %select_n3A_131 : vector<16xf32>
    %get3A_133 = arith.constant 8716 : index
    %get3A_134 = tpu.vector_load %arg10[%get3A_133] {strides = array<i32>} : memref<8732xi32, #tpu.memory_space<vmem>>, vector<16xi32>,
    %get3A_135 = vector.shape_cast %get3A_134 : vector<16xi32> to vector<16xi32>
    %gt3A = arith.constant 0 : i32
    %gt3A_136 = vector.broadcast %gt3A : i32 to vector<16xi32>
    %gt3A_137 = arith.cmpi sgt, %get3A_135, %gt3A_136 : vector<16xi32>
    %and3A = arith.andi %gt3A_137, %ge3A_10 : vector<16xi1>
    %jit3A = arith.constant 0.000000e+00 : f32
    %broadcast_in_dim3A_138 = vector.broadcast %jit3A : f32 to vector<16xf32>
    %select_n3A_139 = arith.select %and3A, %add3A_132, %broadcast_in_dim3A_138 : vector<16xi1>, vector<16xf32>
    %add3A_140 = arith.addf %scan3A_7, %select_n3A_139 : vector<16xf32>
    %swap3A = arith.constant 0 : i32
    %swap3A_141 = arith.index_cast %swap3A : i32 to index
    %swap3A_142 = arith.constant 0 : index
    %swap3A_143 = tpu.vector_load %arg11[%swap3A_141, %swap3A_142] {strides = array<i32>} : memref<2x16xf32, #tpu.memory_space<vmem>>, vector<1x16xf32>,
    %swap3A_144 = vector.shape_cast %swap3A_143 : vector<1x16xf32> to vector<16xf32>
    %swap3A_145 = vector.shape_cast %add3A_140 : vector<16xf32> to vector<1x16xf32>
    tpu.vector_store %arg11[%swap3A_141, %swap3A_142], %swap3A_145 {strides = array<i32>} : memref<2x16xf32, #tpu.memory_space<vmem>>, vector<1x16xf32>,
    %mul3A_146 = arith.constant 2 : i32
    %mul3A_147 = arith.muli %add3A, %mul3A_146 : i32
    %add3A_148 = arith.constant 1 : i32
    %add3A_149 = arith.addi %mul3A_147, %add3A_148 : i32
    "tpu.region"() ({
      %run_scoped3A_306 = tpu.sem_alloc : memref<!tpu.dma_semaphore, #tpu.memory_space<semaphore_mem>>
      %dma_start3A = arith.constant 0 : i32
      %dma_start3A_307 = arith.constant 0 : i32
      %dma_start3A_308 = tpu.memref_slice %arg2[%add3A_149, %dma_start3A, %dma_start3A_307] : memref<64x4x8732xf32, #tpu.memory_space<hbm>> -> memref<1x4x8732xf32, #tpu.memory_space<hbm>>
      %dma_start3A_309 = tpu.memref_squeeze %dma_start3A_308 : memref<1x4x8732xf32, #tpu.memory_space<hbm>> -> memref<4x8732xf32, #tpu.memory_space<hbm>>
      %dma_start3A_310 = arith.constant 0 : i32
      %dma_start3A_311 = arith.constant 0 : i32
      %dma_start3A_312 = tpu.memref_slice %arg2[%add3A_149, %dma_start3A_310, %dma_start3A_311] : memref<64x4x8732xf32, #tpu.memory_space<hbm>> -> memref<1x4x8732xf32, #tpu.memory_space<hbm>>
      %dma_start3A_313 = tpu.memref_squeeze %dma_start3A_312 : memref<1x4x8732xf32, #tpu.memory_space<hbm>> -> memref<4x8732xf32, #tpu.memory_space<hbm>>
      tpu.enqueue_dma source(%dma_start3A_313 : memref<4x8732xf32, #tpu.memory_space<hbm>>) target(%arg7 : memref<4x8732xf32, #tpu.memory_space<vmem>>) target_semaphore(%run_scoped3A_306 : memref<!tpu.dma_semaphore, #tpu.memory_space<semaphore_mem>>)
      %dma_wait3A = arith.constant 0 : i32
      %dma_wait3A_314 = arith.constant 0 : i32
      %dma_wait3A_315 = tpu.memref_slice %arg2[%add3A_149, %dma_wait3A, %dma_wait3A_314] : memref<64x4x8732xf32, #tpu.memory_space<hbm>> -> memref<1x4x8732xf32, #tpu.memory_space<hbm>>
      %dma_wait3A_316 = tpu.memref_squeeze %dma_wait3A_315 : memref<1x4x8732xf32, #tpu.memory_space<hbm>> -> memref<4x8732xf32, #tpu.memory_space<hbm>>
      %dma_wait3A_317 = arith.constant 0 : i32
      %dma_wait3A_318 = arith.constant 0 : i32
      %dma_wait3A_319 = tpu.memref_slice %arg2[%add3A_149, %dma_wait3A_317, %dma_wait3A_318] : memref<64x4x8732xf32, #tpu.memory_space<hbm>> -> memref<1x4x8732xf32, #tpu.memory_space<hbm>>
      %dma_wait3A_320 = tpu.memref_squeeze %dma_wait3A_319 : memref<1x4x8732xf32, #tpu.memory_space<hbm>> -> memref<4x8732xf32, #tpu.memory_space<hbm>>
      tpu.wait_dma2 semaphore(%run_scoped3A_306 : memref<!tpu.dma_semaphore, #tpu.memory_space<semaphore_mem>>) src(%dma_wait3A_320 : memref<4x8732xf32, #tpu.memory_space<hbm>>) dst(%arg7 : memref<4x8732xf32, #tpu.memory_space<vmem>>)
      tpu.yield
    }) : () -> ()
    "tpu.region"() ({
      %run_scoped3A_306 = tpu.sem_alloc : memref<!tpu.dma_semaphore, #tpu.memory_space<semaphore_mem>>
      %dma_start3A = arith.constant 0 : i32
      %dma_start3A_307 = arith.constant 0 : i32
      %dma_start3A_308 = tpu.memref_slice %arg3[%add3A_149, %dma_start3A, %dma_start3A_307] : memref<64x4x8732xf32, #tpu.memory_space<hbm>> -> memref<1x4x8732xf32, #tpu.memory_space<hbm>>
      %dma_start3A_309 = tpu.memref_squeeze %dma_start3A_308 : memref<1x4x8732xf32, #tpu.memory_space<hbm>> -> memref<4x8732xf32, #tpu.memory_space<hbm>>
      %dma_start3A_310 = arith.constant 0 : i32
      %dma_start3A_311 = arith.constant 0 : i32
      %dma_start3A_312 = tpu.memref_slice %arg3[%add3A_149, %dma_start3A_310, %dma_start3A_311] : memref<64x4x8732xf32, #tpu.memory_space<hbm>> -> memref<1x4x8732xf32, #tpu.memory_space<hbm>>
      %dma_start3A_313 = tpu.memref_squeeze %dma_start3A_312 : memref<1x4x8732xf32, #tpu.memory_space<hbm>> -> memref<4x8732xf32, #tpu.memory_space<hbm>>
      tpu.enqueue_dma source(%dma_start3A_313 : memref<4x8732xf32, #tpu.memory_space<hbm>>) target(%arg8 : memref<4x8732xf32, #tpu.memory_space<vmem>>) target_semaphore(%run_scoped3A_306 : memref<!tpu.dma_semaphore, #tpu.memory_space<semaphore_mem>>)
      %dma_wait3A = arith.constant 0 : i32
      %dma_wait3A_314 = arith.constant 0 : i32
      %dma_wait3A_315 = tpu.memref_slice %arg3[%add3A_149, %dma_wait3A, %dma_wait3A_314] : memref<64x4x8732xf32, #tpu.memory_space<hbm>> -> memref<1x4x8732xf32, #tpu.memory_space<hbm>>
      %dma_wait3A_316 = tpu.memref_squeeze %dma_wait3A_315 : memref<1x4x8732xf32, #tpu.memory_space<hbm>> -> memref<4x8732xf32, #tpu.memory_space<hbm>>
      %dma_wait3A_317 = arith.constant 0 : i32
      %dma_wait3A_318 = arith.constant 0 : i32
      %dma_wait3A_319 = tpu.memref_slice %arg3[%add3A_149, %dma_wait3A_317, %dma_wait3A_318] : memref<64x4x8732xf32, #tpu.memory_space<hbm>> -> memref<1x4x8732xf32, #tpu.memory_space<hbm>>
      %dma_wait3A_320 = tpu.memref_squeeze %dma_wait3A_319 : memref<1x4x8732xf32, #tpu.memory_space<hbm>> -> memref<4x8732xf32, #tpu.memory_space<hbm>>
      tpu.wait_dma2 semaphore(%run_scoped3A_306 : memref<!tpu.dma_semaphore, #tpu.memory_space<semaphore_mem>>) src(%dma_wait3A_320 : memref<4x8732xf32, #tpu.memory_space<hbm>>) dst(%arg8 : memref<4x8732xf32, #tpu.memory_space<vmem>>)
      tpu.yield
    }) : () -> ()
    "tpu.region"() ({
      %run_scoped3A_306 = tpu.sem_alloc : memref<!tpu.dma_semaphore, #tpu.memory_space<semaphore_mem>>
      %dma_start3A = arith.constant 0 : i32
      %dma_start3A_307 = tpu.memref_slice %arg4[%add3A_149, %dma_start3A] : memref<64x8732xi32, #tpu.memory_space<hbm>> -> memref<1x8732xi32, #tpu.memory_space<hbm>>
      %dma_start3A_308 = tpu.memref_squeeze %dma_start3A_307 : memref<1x8732xi32, #tpu.memory_space<hbm>> -> memref<8732xi32, #tpu.memory_space<hbm>>
      %dma_start3A_309 = arith.constant 0 : i32
      %dma_start3A_310 = tpu.memref_slice %arg4[%add3A_149, %dma_start3A_309] : memref<64x8732xi32, #tpu.memory_space<hbm>> -> memref<1x8732xi32, #tpu.memory_space<hbm>>
      %dma_start3A_311 = tpu.memref_squeeze %dma_start3A_310 : memref<1x8732xi32, #tpu.memory_space<hbm>> -> memref<8732xi32, #tpu.memory_space<hbm>>
      tpu.enqueue_dma source(%dma_start3A_311 : memref<8732xi32, #tpu.memory_space<hbm>>) target(%arg10 : memref<8732xi32, #tpu.memory_space<vmem>>) target_semaphore(%run_scoped3A_306 : memref<!tpu.dma_semaphore, #tpu.memory_space<semaphore_mem>>)
      %dma_wait3A = arith.constant 0 : i32
      %dma_wait3A_312 = tpu.memref_slice %arg4[%add3A_149, %dma_wait3A] : memref<64x8732xi32, #tpu.memory_space<hbm>> -> memref<1x8732xi32, #tpu.memory_space<hbm>>
      %dma_wait3A_313 = tpu.memref_squeeze %dma_wait3A_312 : memref<1x8732xi32, #tpu.memory_space<hbm>> -> memref<8732xi32, #tpu.memory_space<hbm>>
      %dma_wait3A_314 = arith.constant 0 : i32
      %dma_wait3A_315 = tpu.memref_slice %arg4[%add3A_149, %dma_wait3A_314] : memref<64x8732xi32, #tpu.memory_space<hbm>> -> memref<1x8732xi32, #tpu.memory_space<hbm>>
      %dma_wait3A_316 = tpu.memref_squeeze %dma_wait3A_315 : memref<1x8732xi32, #tpu.memory_space<hbm>> -> memref<8732xi32, #tpu.memory_space<hbm>>
      tpu.wait_dma2 semaphore(%run_scoped3A_306 : memref<!tpu.dma_semaphore, #tpu.memory_space<semaphore_mem>>) src(%dma_wait3A_316 : memref<8732xi32, #tpu.memory_space<hbm>>) dst(%arg10 : memref<8732xi32, #tpu.memory_space<vmem>>)
      tpu.yield
    }) : () -> ()
    %broadcast_in_dim3A_150 = arith.constant 0.000000e+00 : f32
    %broadcast_in_dim3A_151 = vector.broadcast %broadcast_in_dim3A_150 : f32 to vector<16xf32>
    %scan3A_152 = arith.constant 0 : i32
    %scan3A_153 = arith.constant 545 : i32
    %scan3A_154 = arith.addi %scan3A_152, %scan3A_153 : i32
    %scan3A_155 = arith.constant 1 : i32
    %scan3A_156 = scf.for %scan3A_306 = %scan3A_152 to %scan3A_154 step %scan3A_155 iter_args(%scan3A_307 = %broadcast_in_dim3A_151) -> (vector<16xf32>)  : i32 {
      %mul3A_308 = arith.constant 16 : i32
      %mul3A_309 = arith.muli %scan3A_306, %mul3A_308 : i32
      %ge3A_310 = arith.constant 0 : i32
      %ge3A_311 = vector.broadcast %ge3A_310 : i32 to vector<16xi32>
      %ge3A_312 = arith.cmpi sge, %iota3A, %ge3A_311 : vector<16xi32>
      %get3A_313 = arith.constant 0 : i32
      %get3A_314 = arith.index_cast %get3A_313 : i32 to index
      %get3A_315 = arith.index_cast %mul3A_309 : i32 to index
      %get3A_316 = tpu.vector_load %arg8[%get3A_314, %get3A_315] {strides = array<i32>} : memref<4x8732xf32, #tpu.memory_space<vmem>>, vector<1x16xf32>,
      %get3A_317 = vector.shape_cast %get3A_316 : vector<1x16xf32> to vector<16xf32>
      %get3A_318 = arith.constant 1 : i32
      %get3A_319 = arith.index_cast %get3A_318 : i32 to index
      %get3A_320 = arith.index_cast %mul3A_309 : i32 to index
      %get3A_321 = tpu.vector_load %arg8[%get3A_319, %get3A_320] {strides = array<i32>} : memref<4x8732xf32, #tpu.memory_space<vmem>>, vector<1x16xf32>,
      %get3A_322 = vector.shape_cast %get3A_321 : vector<1x16xf32> to vector<16xf32>
      %get3A_323 = arith.constant 0 : i32
      %get3A_324 = arith.index_cast %get3A_323 : i32 to index
      %get3A_325 = arith.index_cast %mul3A_309 : i32 to index
      %get3A_326 = tpu.vector_load %arg9[%get3A_324, %get3A_325] {strides = array<i32>} : memref<4x8732xf32, #tpu.memory_space<vmem>>, vector<1x16xf32>,
      %get3A_327 = vector.shape_cast %get3A_326 : vector<1x16xf32> to vector<16xf32>
      %get3A_328 = arith.constant 1 : i32
      %get3A_329 = arith.index_cast %get3A_328 : i32 to index
      %get3A_330 = arith.index_cast %mul3A_309 : i32 to index
      %get3A_331 = tpu.vector_load %arg9[%get3A_329, %get3A_330] {strides = array<i32>} : memref<4x8732xf32, #tpu.memory_space<vmem>>, vector<1x16xf32>,
      %get3A_332 = vector.shape_cast %get3A_331 : vector<1x16xf32> to vector<16xf32>
      %get3A_333 = arith.constant 2 : i32
      %get3A_334 = arith.index_cast %get3A_333 : i32 to index
      %get3A_335 = arith.index_cast %mul3A_309 : i32 to index
      %get3A_336 = tpu.vector_load %arg9[%get3A_334, %get3A_335] {strides = array<i32>} : memref<4x8732xf32, #tpu.memory_space<vmem>>, vector<1x16xf32>,
      %get3A_337 = vector.shape_cast %get3A_336 : vector<1x16xf32> to vector<16xf32>
      %get3A_338 = arith.constant 3 : i32
      %get3A_339 = arith.index_cast %get3A_338 : i32 to index
      %get3A_340 = arith.index_cast %mul3A_309 : i32 to index
      %get3A_341 = tpu.vector_load %arg9[%get3A_339, %get3A_340] {strides = array<i32>} : memref<4x8732xf32, #tpu.memory_space<vmem>>, vector<1x16xf32>,
      %get3A_342 = vector.shape_cast %get3A_341 : vector<1x16xf32> to vector<16xf32>
      %sub3A_343 = arith.subf %get3A_317, %get3A_327 : vector<16xf32>
      %mul3A_344 = arith.constant 1.000000e+01 : f32
      %mul3A_345 = vector.broadcast %mul3A_344 : f32 to vector<16xf32>
      %mul3A_346 = arith.mulf %mul3A_345, %sub3A_343 : vector<16xf32>
      %div3A_347 = arith.divf %mul3A_346, %get3A_337 : vector<16xf32>
      %sub3A_348 = arith.subf %get3A_322, %get3A_332 : vector<16xf32>
      %mul3A_349 = arith.constant 1.000000e+01 : f32
      %mul3A_350 = vector.broadcast %mul3A_349 : f32 to vector<16xf32>
      %mul3A_351 = arith.mulf %mul3A_350, %sub3A_348 : vector<16xf32>
      %div3A_352 = arith.divf %mul3A_351, %get3A_342 : vector<16xf32>
      %sub3A_353 = arith.subf %get3A_317, %get3A_337 : vector<16xf32>
      %mul3A_354 = arith.constant 5.000000e+00 : f32
      %mul3A_355 = vector.broadcast %mul3A_354 : f32 to vector<16xf32>
      %mul3A_356 = arith.mulf %mul3A_355, %sub3A_353 : vector<16xf32>
      %div3A_357 = arith.divf %mul3A_356, %get3A_337 : vector<16xf32>
      %sub3A_358 = arith.subf %get3A_322, %get3A_342 : vector<16xf32>
      %mul3A_359 = arith.constant 5.000000e+00 : f32
      %mul3A_360 = vector.broadcast %mul3A_359 : f32 to vector<16xf32>
      %mul3A_361 = arith.mulf %mul3A_360, %sub3A_358 : vector<16xf32>
      %div3A_362 = arith.divf %mul3A_361, %get3A_342 : vector<16xf32>
      %broadcast_in_dim3A_363 = arith.constant 0.000000e+00 : f32
      %broadcast_in_dim3A_364 = vector.broadcast %broadcast_in_dim3A_363 : f32 to vector<16xf32>
      %get3A_365 = arith.constant 0 : i32
      %get3A_366 = arith.index_cast %get3A_365 : i32 to index
      %get3A_367 = arith.index_cast %mul3A_309 : i32 to index
      %get3A_368 = tpu.vector_load %arg7[%get3A_366, %get3A_367] {strides = array<i32>} : memref<4x8732xf32, #tpu.memory_space<vmem>>, vector<1x16xf32>,
      %get3A_369 = vector.shape_cast %get3A_368 : vector<1x16xf32> to vector<16xf32>
      %sub3A_370 = arith.subf %get3A_369, %div3A_347 : vector<16xf32>
      %abs3A_371 = math.absf %sub3A_370 : vector<16xf32>
      %lt3A_372 = arith.constant 1.000000e+00 : f32
      %lt3A_373 = vector.broadcast %lt3A_372 : f32 to vector<16xf32>
      %lt3A_374 = arith.cmpf olt, %abs3A_371, %lt3A_373 : vector<16xf32>
      %mul3A_375 = arith.constant 5.000000e-01 : f32
      %mul3A_376 = vector.broadcast %mul3A_375 : f32 to vector<16xf32>
      %mul3A_377 = arith.mulf %mul3A_376, %sub3A_370 : vector<16xf32>
      %mul3A_378 = arith.mulf %mul3A_377, %sub3A_370 : vector<16xf32>
      %sub3A_379 = arith.constant 5.000000e-01 : f32
      %sub3A_380 = vector.broadcast %sub3A_379 : f32 to vector<16xf32>
      %sub3A_381 = arith.subf %abs3A_371, %sub3A_380 : vector<16xf32>
      %select_n3A_382 = arith.select %lt3A_374, %mul3A_378, %sub3A_381 : vector<16xi1>, vector<16xf32>
      %add3A_383 = arith.addf %broadcast_in_dim3A_364, %select_n3A_382 : vector<16xf32>
      %get3A_384 = arith.constant 1 : i32
      %get3A_385 = arith.index_cast %get3A_384 : i32 to index
      %get3A_386 = arith.index_cast %mul3A_309 : i32 to index
      %get3A_387 = tpu.vector_load %arg7[%get3A_385, %get3A_386] {strides = array<i32>} : memref<4x8732xf32, #tpu.memory_space<vmem>>, vector<1x16xf32>,
      %get3A_388 = vector.shape_cast %get3A_387 : vector<1x16xf32> to vector<16xf32>
      %sub3A_389 = arith.subf %get3A_388, %div3A_352 : vector<16xf32>
      %abs3A_390 = math.absf %sub3A_389 : vector<16xf32>
      %lt3A_391 = arith.constant 1.000000e+00 : f32
      %lt3A_392 = vector.broadcast %lt3A_391 : f32 to vector<16xf32>
      %lt3A_393 = arith.cmpf olt, %abs3A_390, %lt3A_392 : vector<16xf32>
      %mul3A_394 = arith.constant 5.000000e-01 : f32
      %mul3A_395 = vector.broadcast %mul3A_394 : f32 to vector<16xf32>
      %mul3A_396 = arith.mulf %mul3A_395, %sub3A_389 : vector<16xf32>
      %mul3A_397 = arith.mulf %mul3A_396, %sub3A_389 : vector<16xf32>
      %sub3A_398 = arith.constant 5.000000e-01 : f32
      %sub3A_399 = vector.broadcast %sub3A_398 : f32 to vector<16xf32>
      %sub3A_400 = arith.subf %abs3A_390, %sub3A_399 : vector<16xf32>
      %select_n3A_401 = arith.select %lt3A_393, %mul3A_397, %sub3A_400 : vector<16xi1>, vector<16xf32>
      %add3A_402 = arith.addf %add3A_383, %select_n3A_401 : vector<16xf32>
      %get3A_403 = arith.constant 2 : i32
      %get3A_404 = arith.index_cast %get3A_403 : i32 to index
      %get3A_405 = arith.index_cast %mul3A_309 : i32 to index
      %get3A_406 = tpu.vector_load %arg7[%get3A_404, %get3A_405] {strides = array<i32>} : memref<4x8732xf32, #tpu.memory_space<vmem>>, vector<1x16xf32>,
      %get3A_407 = vector.shape_cast %get3A_406 : vector<1x16xf32> to vector<16xf32>
      %sub3A_408 = arith.subf %get3A_407, %div3A_357 : vector<16xf32>
      %abs3A_409 = math.absf %sub3A_408 : vector<16xf32>
      %lt3A_410 = arith.constant 1.000000e+00 : f32
      %lt3A_411 = vector.broadcast %lt3A_410 : f32 to vector<16xf32>
      %lt3A_412 = arith.cmpf olt, %abs3A_409, %lt3A_411 : vector<16xf32>
      %mul3A_413 = arith.constant 5.000000e-01 : f32
      %mul3A_414 = vector.broadcast %mul3A_413 : f32 to vector<16xf32>
      %mul3A_415 = arith.mulf %mul3A_414, %sub3A_408 : vector<16xf32>
      %mul3A_416 = arith.mulf %mul3A_415, %sub3A_408 : vector<16xf32>
      %sub3A_417 = arith.constant 5.000000e-01 : f32
      %sub3A_418 = vector.broadcast %sub3A_417 : f32 to vector<16xf32>
      %sub3A_419 = arith.subf %abs3A_409, %sub3A_418 : vector<16xf32>
      %select_n3A_420 = arith.select %lt3A_412, %mul3A_416, %sub3A_419 : vector<16xi1>, vector<16xf32>
      %add3A_421 = arith.addf %add3A_402, %select_n3A_420 : vector<16xf32>
      %get3A_422 = arith.constant 3 : i32
      %get3A_423 = arith.index_cast %get3A_422 : i32 to index
      %get3A_424 = arith.index_cast %mul3A_309 : i32 to index
      %get3A_425 = tpu.vector_load %arg7[%get3A_423, %get3A_424] {strides = array<i32>} : memref<4x8732xf32, #tpu.memory_space<vmem>>, vector<1x16xf32>,
      %get3A_426 = vector.shape_cast %get3A_425 : vector<1x16xf32> to vector<16xf32>
      %sub3A_427 = arith.subf %get3A_426, %div3A_362 : vector<16xf32>
      %abs3A_428 = math.absf %sub3A_427 : vector<16xf32>
      %lt3A_429 = arith.constant 1.000000e+00 : f32
      %lt3A_430 = vector.broadcast %lt3A_429 : f32 to vector<16xf32>
      %lt3A_431 = arith.cmpf olt, %abs3A_428, %lt3A_430 : vector<16xf32>
      %mul3A_432 = arith.constant 5.000000e-01 : f32
      %mul3A_433 = vector.broadcast %mul3A_432 : f32 to vector<16xf32>
      %mul3A_434 = arith.mulf %mul3A_433, %sub3A_427 : vector<16xf32>
      %mul3A_435 = arith.mulf %mul3A_434, %sub3A_427 : vector<16xf32>
      %sub3A_436 = arith.constant 5.000000e-01 : f32
      %sub3A_437 = vector.broadcast %sub3A_436 : f32 to vector<16xf32>
      %sub3A_438 = arith.subf %abs3A_428, %sub3A_437 : vector<16xf32>
      %select_n3A_439 = arith.select %lt3A_431, %mul3A_435, %sub3A_438 : vector<16xi1>, vector<16xf32>
      %add3A_440 = arith.addf %add3A_421, %select_n3A_439 : vector<16xf32>
      %get3A_441 = arith.index_cast %mul3A_309 : i32 to index
      %get3A_442 = tpu.vector_load %arg10[%get3A_441] {strides = array<i32>} : memref<8732xi32, #tpu.memory_space<vmem>>, vector<16xi32>,
      %get3A_443 = vector.shape_cast %get3A_442 : vector<16xi32> to vector<16xi32>
      %gt3A_444 = arith.constant 0 : i32
      %gt3A_445 = vector.broadcast %gt3A_444 : i32 to vector<16xi32>
      %gt3A_446 = arith.cmpi sgt, %get3A_443, %gt3A_445 : vector<16xi32>
      %and3A_447 = arith.andi %gt3A_446, %ge3A_312 : vector<16xi1>
      %jit3A_448 = arith.constant 0.000000e+00 : f32
      %broadcast_in_dim3A_449 = vector.broadcast %jit3A_448 : f32 to vector<16xf32>
      %select_n3A_450 = arith.select %and3A_447, %add3A_440, %broadcast_in_dim3A_449 : vector<16xi1>, vector<16xf32>
      %add3A_451 = arith.addf %scan3A_307, %select_n3A_450 : vector<16xf32>
      scf.yield %add3A_451 : vector<16xf32>
    }
    %scan3A_157 = arith.constant 545 : i32
    %ge3A_158 = arith.constant 4 : i32
    %ge3A_159 = vector.broadcast %ge3A_158 : i32 to vector<16xi32>
    %ge3A_160 = arith.cmpi sge, %iota3A, %ge3A_159 : vector<16xi32>
    %get3A_161 = arith.constant 0 : i32
    %get3A_162 = arith.index_cast %get3A_161 : i32 to index
    %get3A_163 = arith.constant 8716 : index
    %get3A_164 = tpu.vector_load %arg8[%get3A_162, %get3A_163] {strides = array<i32>} : memref<4x8732xf32, #tpu.memory_space<vmem>>, vector<1x16xf32>,
    %get3A_165 = vector.shape_cast %get3A_164 : vector<1x16xf32> to vector<16xf32>
    %get3A_166 = arith.constant 1 : i32
    %get3A_167 = arith.index_cast %get3A_166 : i32 to index
    %get3A_168 = arith.constant 8716 : index
    %get3A_169 = tpu.vector_load %arg8[%get3A_167, %get3A_168] {strides = array<i32>} : memref<4x8732xf32, #tpu.memory_space<vmem>>, vector<1x16xf32>,
    %get3A_170 = vector.shape_cast %get3A_169 : vector<1x16xf32> to vector<16xf32>
    %get3A_171 = arith.constant 0 : i32
    %get3A_172 = arith.index_cast %get3A_171 : i32 to index
    %get3A_173 = arith.constant 8716 : index
    %get3A_174 = tpu.vector_load %arg9[%get3A_172, %get3A_173] {strides = array<i32>} : memref<4x8732xf32, #tpu.memory_space<vmem>>, vector<1x16xf32>,
    %get3A_175 = vector.shape_cast %get3A_174 : vector<1x16xf32> to vector<16xf32>
    %get3A_176 = arith.constant 1 : i32
    %get3A_177 = arith.index_cast %get3A_176 : i32 to index
    %get3A_178 = arith.constant 8716 : index
    %get3A_179 = tpu.vector_load %arg9[%get3A_177, %get3A_178] {strides = array<i32>} : memref<4x8732xf32, #tpu.memory_space<vmem>>, vector<1x16xf32>,
    %get3A_180 = vector.shape_cast %get3A_179 : vector<1x16xf32> to vector<16xf32>
    %get3A_181 = arith.constant 2 : i32
    %get3A_182 = arith.index_cast %get3A_181 : i32 to index
    %get3A_183 = arith.constant 8716 : index
    %get3A_184 = tpu.vector_load %arg9[%get3A_182, %get3A_183] {strides = array<i32>} : memref<4x8732xf32, #tpu.memory_space<vmem>>, vector<1x16xf32>,
    %get3A_185 = vector.shape_cast %get3A_184 : vector<1x16xf32> to vector<16xf32>
    %get3A_186 = arith.constant 3 : i32
    %get3A_187 = arith.index_cast %get3A_186 : i32 to index
    %get3A_188 = arith.constant 8716 : index
    %get3A_189 = tpu.vector_load %arg9[%get3A_187, %get3A_188] {strides = array<i32>} : memref<4x8732xf32, #tpu.memory_space<vmem>>, vector<1x16xf32>,
    %get3A_190 = vector.shape_cast %get3A_189 : vector<1x16xf32> to vector<16xf32>
    %sub3A_191 = arith.subf %get3A_165, %get3A_175 : vector<16xf32>
    %mul3A_192 = arith.constant 1.000000e+01 : f32
    %mul3A_193 = vector.broadcast %mul3A_192 : f32 to vector<16xf32>
    %mul3A_194 = arith.mulf %mul3A_193, %sub3A_191 : vector<16xf32>
    %div3A_195 = arith.divf %mul3A_194, %get3A_185 : vector<16xf32>
    %sub3A_196 = arith.subf %get3A_170, %get3A_180 : vector<16xf32>
    %mul3A_197 = arith.constant 1.000000e+01 : f32
    %mul3A_198 = vector.broadcast %mul3A_197 : f32 to vector<16xf32>
    %mul3A_199 = arith.mulf %mul3A_198, %sub3A_196 : vector<16xf32>
    %div3A_200 = arith.divf %mul3A_199, %get3A_190 : vector<16xf32>
    %sub3A_201 = arith.subf %get3A_165, %get3A_185 : vector<16xf32>
    %mul3A_202 = arith.constant 5.000000e+00 : f32
    %mul3A_203 = vector.broadcast %mul3A_202 : f32 to vector<16xf32>
    %mul3A_204 = arith.mulf %mul3A_203, %sub3A_201 : vector<16xf32>
    %div3A_205 = arith.divf %mul3A_204, %get3A_185 : vector<16xf32>
    %sub3A_206 = arith.subf %get3A_170, %get3A_190 : vector<16xf32>
    %mul3A_207 = arith.constant 5.000000e+00 : f32
    %mul3A_208 = vector.broadcast %mul3A_207 : f32 to vector<16xf32>
    %mul3A_209 = arith.mulf %mul3A_208, %sub3A_206 : vector<16xf32>
    %div3A_210 = arith.divf %mul3A_209, %get3A_190 : vector<16xf32>
    %broadcast_in_dim3A_211 = arith.constant 0.000000e+00 : f32
    %broadcast_in_dim3A_212 = vector.broadcast %broadcast_in_dim3A_211 : f32 to vector<16xf32>
    %get3A_213 = arith.constant 0 : i32
    %get3A_214 = arith.index_cast %get3A_213 : i32 to index
    %get3A_215 = arith.constant 8716 : index
    %get3A_216 = tpu.vector_load %arg7[%get3A_214, %get3A_215] {strides = array<i32>} : memref<4x8732xf32, #tpu.memory_space<vmem>>, vector<1x16xf32>,
    %get3A_217 = vector.shape_cast %get3A_216 : vector<1x16xf32> to vector<16xf32>
    %sub3A_218 = arith.subf %get3A_217, %div3A_195 : vector<16xf32>
    %abs3A_219 = math.absf %sub3A_218 : vector<16xf32>
    %lt3A_220 = arith.constant 1.000000e+00 : f32
    %lt3A_221 = vector.broadcast %lt3A_220 : f32 to vector<16xf32>
    %lt3A_222 = arith.cmpf olt, %abs3A_219, %lt3A_221 : vector<16xf32>
    %mul3A_223 = arith.constant 5.000000e-01 : f32
    %mul3A_224 = vector.broadcast %mul3A_223 : f32 to vector<16xf32>
    %mul3A_225 = arith.mulf %mul3A_224, %sub3A_218 : vector<16xf32>
    %mul3A_226 = arith.mulf %mul3A_225, %sub3A_218 : vector<16xf32>
    %sub3A_227 = arith.constant 5.000000e-01 : f32
    %sub3A_228 = vector.broadcast %sub3A_227 : f32 to vector<16xf32>
    %sub3A_229 = arith.subf %abs3A_219, %sub3A_228 : vector<16xf32>
    %select_n3A_230 = arith.select %lt3A_222, %mul3A_226, %sub3A_229 : vector<16xi1>, vector<16xf32>
    %add3A_231 = arith.addf %broadcast_in_dim3A_212, %select_n3A_230 : vector<16xf32>
    %get3A_232 = arith.constant 1 : i32
    %get3A_233 = arith.index_cast %get3A_232 : i32 to index
    %get3A_234 = arith.constant 8716 : index
    %get3A_235 = tpu.vector_load %arg7[%get3A_233, %get3A_234] {strides = array<i32>} : memref<4x8732xf32, #tpu.memory_space<vmem>>, vector<1x16xf32>,
    %get3A_236 = vector.shape_cast %get3A_235 : vector<1x16xf32> to vector<16xf32>
    %sub3A_237 = arith.subf %get3A_236, %div3A_200 : vector<16xf32>
    %abs3A_238 = math.absf %sub3A_237 : vector<16xf32>
    %lt3A_239 = arith.constant 1.000000e+00 : f32
    %lt3A_240 = vector.broadcast %lt3A_239 : f32 to vector<16xf32>
    %lt3A_241 = arith.cmpf olt, %abs3A_238, %lt3A_240 : vector<16xf32>
    %mul3A_242 = arith.constant 5.000000e-01 : f32
    %mul3A_243 = vector.broadcast %mul3A_242 : f32 to vector<16xf32>
    %mul3A_244 = arith.mulf %mul3A_243, %sub3A_237 : vector<16xf32>
    %mul3A_245 = arith.mulf %mul3A_244, %sub3A_237 : vector<16xf32>
    %sub3A_246 = arith.constant 5.000000e-01 : f32
    %sub3A_247 = vector.broadcast %sub3A_246 : f32 to vector<16xf32>
    %sub3A_248 = arith.subf %abs3A_238, %sub3A_247 : vector<16xf32>
    %select_n3A_249 = arith.select %lt3A_241, %mul3A_245, %sub3A_248 : vector<16xi1>, vector<16xf32>
    %add3A_250 = arith.addf %add3A_231, %select_n3A_249 : vector<16xf32>
    %get3A_251 = arith.constant 2 : i32
    %get3A_252 = arith.index_cast %get3A_251 : i32 to index
    %get3A_253 = arith.constant 8716 : index
    %get3A_254 = tpu.vector_load %arg7[%get3A_252, %get3A_253] {strides = array<i32>} : memref<4x8732xf32, #tpu.memory_space<vmem>>, vector<1x16xf32>,
    %get3A_255 = vector.shape_cast %get3A_254 : vector<1x16xf32> to vector<16xf32>
    %sub3A_256 = arith.subf %get3A_255, %div3A_205 : vector<16xf32>
    %abs3A_257 = math.absf %sub3A_256 : vector<16xf32>
    %lt3A_258 = arith.constant 1.000000e+00 : f32
    %lt3A_259 = vector.broadcast %lt3A_258 : f32 to vector<16xf32>
    %lt3A_260 = arith.cmpf olt, %abs3A_257, %lt3A_259 : vector<16xf32>
    %mul3A_261 = arith.constant 5.000000e-01 : f32
    %mul3A_262 = vector.broadcast %mul3A_261 : f32 to vector<16xf32>
    %mul3A_263 = arith.mulf %mul3A_262, %sub3A_256 : vector<16xf32>
    %mul3A_264 = arith.mulf %mul3A_263, %sub3A_256 : vector<16xf32>
    %sub3A_265 = arith.constant 5.000000e-01 : f32
    %sub3A_266 = vector.broadcast %sub3A_265 : f32 to vector<16xf32>
    %sub3A_267 = arith.subf %abs3A_257, %sub3A_266 : vector<16xf32>
    %select_n3A_268 = arith.select %lt3A_260, %mul3A_264, %sub3A_267 : vector<16xi1>, vector<16xf32>
    %add3A_269 = arith.addf %add3A_250, %select_n3A_268 : vector<16xf32>
    %get3A_270 = arith.constant 3 : i32
    %get3A_271 = arith.index_cast %get3A_270 : i32 to index
    %get3A_272 = arith.constant 8716 : index
    %get3A_273 = tpu.vector_load %arg7[%get3A_271, %get3A_272] {strides = array<i32>} : memref<4x8732xf32, #tpu.memory_space<vmem>>, vector<1x16xf32>,
    %get3A_274 = vector.shape_cast %get3A_273 : vector<1x16xf32> to vector<16xf32>
    %sub3A_275 = arith.subf %get3A_274, %div3A_210 : vector<16xf32>
    %abs3A_276 = math.absf %sub3A_275 : vector<16xf32>
    %lt3A_277 = arith.constant 1.000000e+00 : f32
    %lt3A_278 = vector.broadcast %lt3A_277 : f32 to vector<16xf32>
    %lt3A_279 = arith.cmpf olt, %abs3A_276, %lt3A_278 : vector<16xf32>
    %mul3A_280 = arith.constant 5.000000e-01 : f32
    %mul3A_281 = vector.broadcast %mul3A_280 : f32 to vector<16xf32>
    %mul3A_282 = arith.mulf %mul3A_281, %sub3A_275 : vector<16xf32>
    %mul3A_283 = arith.mulf %mul3A_282, %sub3A_275 : vector<16xf32>
    %sub3A_284 = arith.constant 5.000000e-01 : f32
    %sub3A_285 = vector.broadcast %sub3A_284 : f32 to vector<16xf32>
    %sub3A_286 = arith.subf %abs3A_276, %sub3A_285 : vector<16xf32>
    %select_n3A_287 = arith.select %lt3A_279, %mul3A_283, %sub3A_286 : vector<16xi1>, vector<16xf32>
    %add3A_288 = arith.addf %add3A_269, %select_n3A_287 : vector<16xf32>
    %get3A_289 = arith.constant 8716 : index
    %get3A_290 = tpu.vector_load %arg10[%get3A_289] {strides = array<i32>} : memref<8732xi32, #tpu.memory_space<vmem>>, vector<16xi32>,
    %get3A_291 = vector.shape_cast %get3A_290 : vector<16xi32> to vector<16xi32>
    %gt3A_292 = arith.constant 0 : i32
    %gt3A_293 = vector.broadcast %gt3A_292 : i32 to vector<16xi32>
    %gt3A_294 = arith.cmpi sgt, %get3A_291, %gt3A_293 : vector<16xi32>
    %and3A_295 = arith.andi %gt3A_294, %ge3A_160 : vector<16xi1>
    %jit3A_296 = arith.constant 0.000000e+00 : f32
    %broadcast_in_dim3A_297 = vector.broadcast %jit3A_296 : f32 to vector<16xf32>
    %select_n3A_298 = arith.select %and3A_295, %add3A_288, %broadcast_in_dim3A_297 : vector<16xi1>, vector<16xf32>
    %add3A_299 = arith.addf %scan3A_156, %select_n3A_298 : vector<16xf32>
    %swap3A_300 = arith.constant 1 : i32
    %swap3A_301 = arith.index_cast %swap3A_300 : i32 to index
    %swap3A_302 = arith.constant 0 : index
    %swap3A_303 = tpu.vector_load %arg11[%swap3A_301, %swap3A_302] {strides = array<i32>} : memref<2x16xf32, #tpu.memory_space<vmem>>, vector<1x16xf32>,
    %swap3A_304 = vector.shape_cast %swap3A_303 : vector<1x16xf32> to vector<16xf32>
    %swap3A_305 = vector.shape_cast %add3A_299 : vector<16xf32> to vector<1x16xf32>
    tpu.vector_store %arg11[%swap3A_301, %swap3A_302], %swap3A_305 {strides = array<i32>} : memref<2x16xf32, #tpu.memory_space<vmem>>, vector<1x16xf32>,
    "tpu.region"() ({
      %run_scoped3A_306 = tpu.sem_alloc : memref<!tpu.dma_semaphore, #tpu.memory_space<semaphore_mem>>
      %dma_start3A = arith.constant 0 : i32
      %dma_start3A_307 = arith.constant 0 : i32
      %dma_start3A_308 = tpu.memref_slice %arg6[%add3A, %dma_start3A, %dma_start3A_307] : memref<32x2x16xf32, #tpu.memory_space<hbm>> -> memref<1x2x16xf32, #tpu.memory_space<hbm>>
      %dma_start3A_309 = tpu.memref_squeeze %dma_start3A_308 : memref<1x2x16xf32, #tpu.memory_space<hbm>> -> memref<2x16xf32, #tpu.memory_space<hbm>>
      %dma_start3A_310 = arith.constant 0 : i32
      %dma_start3A_311 = arith.constant 0 : i32
      %dma_start3A_312 = tpu.memref_slice %arg6[%add3A, %dma_start3A_310, %dma_start3A_311] : memref<32x2x16xf32, #tpu.memory_space<hbm>> -> memref<1x2x16xf32, #tpu.memory_space<hbm>>
      %dma_start3A_313 = tpu.memref_squeeze %dma_start3A_312 : memref<1x2x16xf32, #tpu.memory_space<hbm>> -> memref<2x16xf32, #tpu.memory_space<hbm>>
      tpu.enqueue_dma source(%arg11 : memref<2x16xf32, #tpu.memory_space<vmem>>) target(%dma_start3A_313 : memref<2x16xf32, #tpu.memory_space<hbm>>) target_semaphore(%run_scoped3A_306 : memref<!tpu.dma_semaphore, #tpu.memory_space<semaphore_mem>>)
      %dma_wait3A = arith.constant 0 : i32
      %dma_wait3A_314 = arith.constant 0 : i32
      %dma_wait3A_315 = tpu.memref_slice %arg6[%add3A, %dma_wait3A, %dma_wait3A_314] : memref<32x2x16xf32, #tpu.memory_space<hbm>> -> memref<1x2x16xf32, #tpu.memory_space<hbm>>
      %dma_wait3A_316 = tpu.memref_squeeze %dma_wait3A_315 : memref<1x2x16xf32, #tpu.memory_space<hbm>> -> memref<2x16xf32, #tpu.memory_space<hbm>>
      %dma_wait3A_317 = arith.constant 0 : i32
      %dma_wait3A_318 = arith.constant 0 : i32
      %dma_wait3A_319 = tpu.memref_slice %arg6[%add3A, %dma_wait3A_317, %dma_wait3A_318] : memref<32x2x16xf32, #tpu.memory_space<hbm>> -> memref<1x2x16xf32, #tpu.memory_space<hbm>>
      %dma_wait3A_320 = tpu.memref_squeeze %dma_wait3A_319 : memref<1x2x16xf32, #tpu.memory_space<hbm>> -> memref<2x16xf32, #tpu.memory_space<hbm>>
      tpu.wait_dma2 semaphore(%run_scoped3A_306 : memref<!tpu.dma_semaphore, #tpu.memory_space<semaphore_mem>>) src(%arg11 : memref<2x16xf32, #tpu.memory_space<vmem>>) dst(%dma_wait3A_320 : memref<2x16xf32, #tpu.memory_space<hbm>>)
      tpu.yield
    }) : () -> ()
    return
  }
}

module attributes {stable_mosaic.version = 14 : i64} {
  func.func @_conf_kernel(%arg0: i32, %arg1: memref<2x1x8732xi32, #tpu.memory_space<vmem>>, %arg2: memref<2x81x8732xf32, #tpu.memory_space<vmem>>, %arg3: memref<2x1x2xf32, #tpu.memory_space<vmem>>) attributes {dimension_semantics = [#tpu.dimension_semantics<parallel>], iteration_bounds = array<i64: 32>, scalar_prefetch = 0 : i64, scratch_operands = 0 : i64, tpu.core_type = #tpu.core_type<tc>, window_params = [{transform_indices = @transform_0, window_bounds = array<i64: 2, 1, 8732>}, {transform_indices = @transform_1, window_bounds = array<i64: 2, 81, 8732>}, {transform_indices = @transform_2, window_bounds = array<i64: 2, 1, 2>}]} {
    %get3A = arith.constant 0 : index
    %get3A_0 = arith.constant 0 : index
    %get3A_1 = arith.constant 0 : index
    %get3A_2 = vector.load %arg2[%get3A, %get3A_0, %get3A_1] : memref<2x81x8732xf32, #tpu.memory_space<vmem>>, vector<1x81x8732xf32>
    %get3A_3 = vector.shape_cast %get3A_2 : vector<1x81x8732xf32> to vector<81x8732xf32>
    %get3A_4 = arith.constant 0 : index
    %get3A_5 = arith.constant 0 : index
    %get3A_6 = arith.constant 0 : index
    %get3A_7 = vector.load %arg1[%get3A_4, %get3A_5, %get3A_6] : memref<2x1x8732xi32, #tpu.memory_space<vmem>>, vector<1x1x8732xi32>
    %get3A_8 = vector.shape_cast %get3A_7 : vector<1x1x8732xi32> to vector<1x8732xi32>
    %exp3A = math.exp %get3A_3 : vector<81x8732xf32>
    %convert_element_type3A = arith.truncf %exp3A : vector<81x8732xf32> to vector<81x8732xbf16>
    %broadcast_in_dim3A = arith.constant 1.000000e+00 : bf16
    %broadcast_in_dim3A_9 = vector.broadcast %broadcast_in_dim3A : bf16 to vector<1x81xbf16>
    %dot_general3A = arith.constant dense<0.000000e+00> : vector<1x8732xf32>
    %dot_general3A_10 = tpu.matmul %broadcast_in_dim3A_9, %convert_element_type3A, %dot_general3A {dimension_numbers = #tpu.dot_dimension_numbers<[1], [0], [0], [1], [0, 0, 1, 1], [], []>, transpose_lhs_hint = false} : vector<1x81xbf16>, vector<81x8732xbf16>, vector<1x8732xf32> -> vector<1x8732xf32>
    %log3A = math.log %dot_general3A_10 : vector<1x8732xf32>
    %iota3A = tpu.iota {dimensions = array<i32: 0>} : vector<81x8732xi32>
    %eq3A = vector.broadcast %get3A_8 : vector<1x8732xi32> to vector<81x8732xi32>
    %eq3A_11 = arith.cmpi eq, %iota3A, %eq3A : vector<81x8732xi32>
    %jit3A = arith.constant 0.000000e+00 : f32
    %broadcast_in_dim3A_12 = vector.broadcast %jit3A : f32 to vector<81x8732xf32>
    %select_n3A = arith.select %eq3A_11, %get3A_3, %broadcast_in_dim3A_12 : vector<81x8732xi1>, vector<81x8732xf32>
    %reduce_sum3A = arith.constant dense<0.000000e+00> : vector<8732xf32>
    %reduce_sum3A_13 = vector.multi_reduction <add>, %select_n3A, %reduce_sum3A [0] : vector<81x8732xf32> to vector<8732xf32>
    %broadcast_in_dim3A_14 = vector.shape_cast %reduce_sum3A_13 : vector<8732xf32> to vector<1x8732xf32>
    %sub3A = arith.subf %log3A, %broadcast_in_dim3A_14 : vector<1x8732xf32>
    %gt3A = arith.constant 0 : i32
    %gt3A_15 = vector.broadcast %gt3A : i32 to vector<1x8732xi32>
    %gt3A_16 = arith.cmpi sgt, %get3A_8, %gt3A_15 : vector<1x8732xi32>
    %convert_element_type3A_17 = arith.extui %gt3A_16 : vector<1x8732xi1> to vector<1x8732xi32>
    %convert_element_type3A_18 = arith.sitofp %convert_element_type3A_17 : vector<1x8732xi32> to vector<1x8732xf32>
    %gt3A_19 = arith.constant 0 : i32
    %gt3A_20 = vector.broadcast %gt3A_19 : i32 to vector<1x8732xi32>
    %gt3A_21 = arith.cmpi sgt, %get3A_8, %gt3A_20 : vector<1x8732xi32>
    %convert_element_type3A_22 = arith.extui %gt3A_21 : vector<1x8732xi1> to vector<1x8732xi32>
    %reduce_sum3A_23 = vector.shape_cast %convert_element_type3A_22 : vector<1x8732xi32> to vector<1x1x8732xi32>
    %reduce_sum3A_24 = arith.constant dense<0> : vector<1xi32>
    %reduce_sum3A_25 = vector.multi_reduction <add>, %reduce_sum3A_23, %reduce_sum3A_24 [1, 2] : vector<1x1x8732xi32> to vector<1xi32>
    %reduce_sum3A_26 = vector.shape_cast %reduce_sum3A_25 : vector<1xi32> to vector<1x1x1xi32>
    %reduce_sum3A_27 = vector.extract %reduce_sum3A_26[0, 0, 0] : i32 from vector<1x1x1xi32>
    %jit3A_28 = arith.constant 0.000000e+00 : f32
    %broadcast_in_dim3A_29 = vector.broadcast %jit3A_28 : f32 to vector<1x8732xf32>
    %select_n3A_30 = arith.select %gt3A_16, %broadcast_in_dim3A_29, %sub3A : vector<1x8732xi1>, vector<1x8732xf32>
    %iota3A_31 = tpu.iota {dimensions = array<i32: 0>} : vector<64x8732xi32>
    %iota3A_32 = tpu.iota {dimensions = array<i32: 1>} : vector<64x8732xi32>
    %slice3A = vector.extract_strided_slice %select_n3A_30 {offsets = [0, 0], sizes = [1, 64], strides = [1, 1]} : vector<1x8732xf32> to vector<1x64xf32>
    %transpose3A = tpu.transpose %slice3A, [1, 0] : vector<1x64xf32> -> vector<64x1xf32>
    %lt3A = vector.broadcast %select_n3A_30 : vector<1x8732xf32> to vector<64x8732xf32>
    %lt3A_33 = vector.broadcast %transpose3A : vector<64x1xf32> to vector<64x8732xf32>
    %lt3A_34 = arith.cmpf olt, %lt3A, %lt3A_33 : vector<64x8732xf32>
    %eq3A_35 = vector.broadcast %select_n3A_30 : vector<1x8732xf32> to vector<64x8732xf32>
    %eq3A_36 = vector.broadcast %transpose3A : vector<64x1xf32> to vector<64x8732xf32>
    %eq3A_37 = arith.cmpf oeq, %eq3A_35, %eq3A_36 : vector<64x8732xf32>
    %lt3A_38 = arith.cmpi slt, %iota3A_32, %iota3A_31 : vector<64x8732xi32>
    %and3A = arith.andi %eq3A_37, %lt3A_38 : vector<64x8732xi1>
    %or3A = arith.ori %lt3A_34, %and3A : vector<64x8732xi1>
    %broadcast_in_dim3A_39 = arith.constant 1.000000e+00 : bf16
    %broadcast_in_dim3A_40 = vector.broadcast %broadcast_in_dim3A_39 : bf16 to vector<8732x1xbf16>
    %convert_element_type3A_41 = arith.extui %or3A : vector<64x8732xi1> to vector<64x8732xi32>
    %convert_element_type3A_42 = arith.sitofp %convert_element_type3A_41 : vector<64x8732xi32> to vector<64x8732xf32>
    %convert_element_type3A_43 = arith.truncf %convert_element_type3A_42 : vector<64x8732xf32> to vector<64x8732xbf16>
    %dot_general3A_44 = arith.constant dense<0.000000e+00> : vector<64x1xf32>
    %dot_general3A_45 = tpu.matmul %convert_element_type3A_43, %broadcast_in_dim3A_40, %dot_general3A_44 {dimension_numbers = #tpu.dot_dimension_numbers<[1], [0], [0], [1], [0, 0, 1, 1], [], []>, transpose_lhs_hint = false} : vector<64x8732xbf16>, vector<8732x1xbf16>, vector<64x1xf32> -> vector<64x1xf32>
    %convert_element_type3A_46 = arith.fptosi %dot_general3A_45 : vector<64x1xf32> to vector<64x1xi32>
    %eq3A_47 = vector.broadcast %convert_element_type3A_46 : vector<64x1xi32> to vector<64x8732xi32>
    %eq3A_48 = arith.cmpi eq, %iota3A_32, %eq3A_47 : vector<64x8732xi32>
    %jit3A_49 = arith.constant 0.000000e+00 : f32
    %broadcast_in_dim3A_50 = vector.shape_cast %sub3A : vector<1x8732xf32> to vector<1x8732xf32>
    %broadcast_in_dim3A_51 = vector.broadcast %broadcast_in_dim3A_50 : vector<1x8732xf32> to vector<64x8732xf32>
    %broadcast_in_dim3A_52 = vector.broadcast %jit3A_49 : f32 to vector<64x8732xf32>
    %select_n3A_53 = arith.select %eq3A_48, %broadcast_in_dim3A_51, %broadcast_in_dim3A_52 : vector<64x8732xi1>, vector<64x8732xf32>
    %convert_element_type3A_54 = arith.truncf %select_n3A_53 : vector<64x8732xf32> to vector<64x8732xbf16>
    %dot_general3A_55 = arith.constant dense<0.000000e+00> : vector<64x1xf32>
    %dot_general3A_56 = tpu.matmul %convert_element_type3A_54, %broadcast_in_dim3A_40, %dot_general3A_55 {dimension_numbers = #tpu.dot_dimension_numbers<[1], [0], [0], [1], [0, 0, 1, 1], [], []>, transpose_lhs_hint = false} : vector<64x8732xbf16>, vector<8732x1xbf16>, vector<64x1xf32> -> vector<64x1xf32>
    %mul3A = arith.constant 3 : i32
    %mul3A_57 = arith.muli %reduce_sum3A_27, %mul3A : i32
    %min3A = arith.constant 64 : i32
    %min3A_58 = arith.minsi %mul3A_57, %min3A : i32
    %convert_element_type3A_59 = arith.sitofp %min3A_58 : i32 to f32
    %iota3A_60 = tpu.iota {dimensions = array<i32: 0>} : vector<64x1xi32>
    %convert_element_type3A_61 = arith.sitofp %iota3A_60 : vector<64x1xi32> to vector<64x1xf32>
    %lt3A_62 = vector.broadcast %convert_element_type3A_59 : f32 to vector<64x1xf32>
    %lt3A_63 = arith.cmpf olt, %convert_element_type3A_61, %lt3A_62 : vector<64x1xf32>
    %jit3A_64 = arith.constant 0.000000e+00 : f32
    %broadcast_in_dim3A_65 = vector.broadcast %jit3A_64 : f32 to vector<64x1xf32>
    %select_n3A_66 = arith.select %lt3A_63, %dot_general3A_56, %broadcast_in_dim3A_65 : vector<64x1xi1>, vector<64x1xf32>
    %reduce_sum3A_67 = vector.shape_cast %select_n3A_66 : vector<64x1xf32> to vector<1x64x1xf32>
    %reduce_sum3A_68 = arith.constant dense<0.000000e+00> : vector<1xf32>
    %reduce_sum3A_69 = vector.multi_reduction <add>, %reduce_sum3A_67, %reduce_sum3A_68 [1, 2] : vector<1x64x1xf32> to vector<1xf32>
    %reduce_sum3A_70 = vector.shape_cast %reduce_sum3A_69 : vector<1xf32> to vector<1x1x1xf32>
    %reduce_sum3A_71 = vector.extract %reduce_sum3A_70[0, 0, 0] : f32 from vector<1x1x1xf32>
    %mul3A_72 = arith.mulf %sub3A, %convert_element_type3A_18 : vector<1x8732xf32>
    %reduce_sum3A_73 = vector.shape_cast %mul3A_72 : vector<1x8732xf32> to vector<1x1x8732xf32>
    %reduce_sum3A_74 = arith.constant dense<0.000000e+00> : vector<1xf32>
    %reduce_sum3A_75 = vector.multi_reduction <add>, %reduce_sum3A_73, %reduce_sum3A_74 [1, 2] : vector<1x1x8732xf32> to vector<1xf32>
    %reduce_sum3A_76 = vector.shape_cast %reduce_sum3A_75 : vector<1xf32> to vector<1x1x1xf32>
    %reduce_sum3A_77 = vector.extract %reduce_sum3A_76[0, 0, 0] : f32 from vector<1x1x1xf32>
    %add3A = arith.addf %reduce_sum3A_77, %reduce_sum3A_71 : f32
    %convert_element_type3A_78 = arith.sitofp %reduce_sum3A_27 : i32 to f32
    %stack3A = vector.broadcast %add3A : f32 to vector<1xf32>
    %stack3A_79 = vector.broadcast %convert_element_type3A_78 : f32 to vector<1xf32>
    %stack3A_80 = tpu.concatenate %stack3A, %stack3A_79 in 0 : vector<1xf32>, vector<1xf32> -> vector<2xf32>
    %reshape3A = vector.shape_cast %stack3A_80 : vector<2xf32> to vector<1x1x2xf32>
    %get3A_81 = arith.constant 1 : index
    %get3A_82 = arith.constant 0 : index
    %get3A_83 = arith.constant 0 : index
    %get3A_84 = vector.load %arg2[%get3A_81, %get3A_82, %get3A_83] : memref<2x81x8732xf32, #tpu.memory_space<vmem>>, vector<1x81x8732xf32>
    %get3A_85 = vector.shape_cast %get3A_84 : vector<1x81x8732xf32> to vector<81x8732xf32>
    %get3A_86 = arith.constant 1 : index
    %get3A_87 = arith.constant 0 : index
    %get3A_88 = arith.constant 0 : index
    %get3A_89 = vector.load %arg1[%get3A_86, %get3A_87, %get3A_88] : memref<2x1x8732xi32, #tpu.memory_space<vmem>>, vector<1x1x8732xi32>
    %get3A_90 = vector.shape_cast %get3A_89 : vector<1x1x8732xi32> to vector<1x8732xi32>
    %exp3A_91 = math.exp %get3A_85 : vector<81x8732xf32>
    %convert_element_type3A_92 = arith.truncf %exp3A_91 : vector<81x8732xf32> to vector<81x8732xbf16>
    %broadcast_in_dim3A_93 = arith.constant 1.000000e+00 : bf16
    %broadcast_in_dim3A_94 = vector.broadcast %broadcast_in_dim3A_93 : bf16 to vector<1x81xbf16>
    %dot_general3A_95 = arith.constant dense<0.000000e+00> : vector<1x8732xf32>
    %dot_general3A_96 = tpu.matmul %broadcast_in_dim3A_94, %convert_element_type3A_92, %dot_general3A_95 {dimension_numbers = #tpu.dot_dimension_numbers<[1], [0], [0], [1], [0, 0, 1, 1], [], []>, transpose_lhs_hint = false} : vector<1x81xbf16>, vector<81x8732xbf16>, vector<1x8732xf32> -> vector<1x8732xf32>
    %log3A_97 = math.log %dot_general3A_96 : vector<1x8732xf32>
    %iota3A_98 = tpu.iota {dimensions = array<i32: 0>} : vector<81x8732xi32>
    %eq3A_99 = vector.broadcast %get3A_90 : vector<1x8732xi32> to vector<81x8732xi32>
    %eq3A_100 = arith.cmpi eq, %iota3A_98, %eq3A_99 : vector<81x8732xi32>
    %jit3A_101 = arith.constant 0.000000e+00 : f32
    %broadcast_in_dim3A_102 = vector.broadcast %jit3A_101 : f32 to vector<81x8732xf32>
    %select_n3A_103 = arith.select %eq3A_100, %get3A_85, %broadcast_in_dim3A_102 : vector<81x8732xi1>, vector<81x8732xf32>
    %reduce_sum3A_104 = arith.constant dense<0.000000e+00> : vector<8732xf32>
    %reduce_sum3A_105 = vector.multi_reduction <add>, %select_n3A_103, %reduce_sum3A_104 [0] : vector<81x8732xf32> to vector<8732xf32>
    %broadcast_in_dim3A_106 = vector.shape_cast %reduce_sum3A_105 : vector<8732xf32> to vector<1x8732xf32>
    %sub3A_107 = arith.subf %log3A_97, %broadcast_in_dim3A_106 : vector<1x8732xf32>
    %gt3A_108 = arith.constant 0 : i32
    %gt3A_109 = vector.broadcast %gt3A_108 : i32 to vector<1x8732xi32>
    %gt3A_110 = arith.cmpi sgt, %get3A_90, %gt3A_109 : vector<1x8732xi32>
    %convert_element_type3A_111 = arith.extui %gt3A_110 : vector<1x8732xi1> to vector<1x8732xi32>
    %convert_element_type3A_112 = arith.sitofp %convert_element_type3A_111 : vector<1x8732xi32> to vector<1x8732xf32>
    %gt3A_113 = arith.constant 0 : i32
    %gt3A_114 = vector.broadcast %gt3A_113 : i32 to vector<1x8732xi32>
    %gt3A_115 = arith.cmpi sgt, %get3A_90, %gt3A_114 : vector<1x8732xi32>
    %convert_element_type3A_116 = arith.extui %gt3A_115 : vector<1x8732xi1> to vector<1x8732xi32>
    %reduce_sum3A_117 = vector.shape_cast %convert_element_type3A_116 : vector<1x8732xi32> to vector<1x1x8732xi32>
    %reduce_sum3A_118 = arith.constant dense<0> : vector<1xi32>
    %reduce_sum3A_119 = vector.multi_reduction <add>, %reduce_sum3A_117, %reduce_sum3A_118 [1, 2] : vector<1x1x8732xi32> to vector<1xi32>
    %reduce_sum3A_120 = vector.shape_cast %reduce_sum3A_119 : vector<1xi32> to vector<1x1x1xi32>
    %reduce_sum3A_121 = vector.extract %reduce_sum3A_120[0, 0, 0] : i32 from vector<1x1x1xi32>
    %jit3A_122 = arith.constant 0.000000e+00 : f32
    %broadcast_in_dim3A_123 = vector.broadcast %jit3A_122 : f32 to vector<1x8732xf32>
    %select_n3A_124 = arith.select %gt3A_110, %broadcast_in_dim3A_123, %sub3A_107 : vector<1x8732xi1>, vector<1x8732xf32>
    %iota3A_125 = tpu.iota {dimensions = array<i32: 0>} : vector<64x8732xi32>
    %iota3A_126 = tpu.iota {dimensions = array<i32: 1>} : vector<64x8732xi32>
    %slice3A_127 = vector.extract_strided_slice %select_n3A_124 {offsets = [0, 0], sizes = [1, 64], strides = [1, 1]} : vector<1x8732xf32> to vector<1x64xf32>
    %transpose3A_128 = tpu.transpose %slice3A_127, [1, 0] : vector<1x64xf32> -> vector<64x1xf32>
    %lt3A_129 = vector.broadcast %select_n3A_124 : vector<1x8732xf32> to vector<64x8732xf32>
    %lt3A_130 = vector.broadcast %transpose3A_128 : vector<64x1xf32> to vector<64x8732xf32>
    %lt3A_131 = arith.cmpf olt, %lt3A_129, %lt3A_130 : vector<64x8732xf32>
    %eq3A_132 = vector.broadcast %select_n3A_124 : vector<1x8732xf32> to vector<64x8732xf32>
    %eq3A_133 = vector.broadcast %transpose3A_128 : vector<64x1xf32> to vector<64x8732xf32>
    %eq3A_134 = arith.cmpf oeq, %eq3A_132, %eq3A_133 : vector<64x8732xf32>
    %lt3A_135 = arith.cmpi slt, %iota3A_126, %iota3A_125 : vector<64x8732xi32>
    %and3A_136 = arith.andi %eq3A_134, %lt3A_135 : vector<64x8732xi1>
    %or3A_137 = arith.ori %lt3A_131, %and3A_136 : vector<64x8732xi1>
    %broadcast_in_dim3A_138 = arith.constant 1.000000e+00 : bf16
    %broadcast_in_dim3A_139 = vector.broadcast %broadcast_in_dim3A_138 : bf16 to vector<8732x1xbf16>
    %convert_element_type3A_140 = arith.extui %or3A_137 : vector<64x8732xi1> to vector<64x8732xi32>
    %convert_element_type3A_141 = arith.sitofp %convert_element_type3A_140 : vector<64x8732xi32> to vector<64x8732xf32>
    %convert_element_type3A_142 = arith.truncf %convert_element_type3A_141 : vector<64x8732xf32> to vector<64x8732xbf16>
    %dot_general3A_143 = arith.constant dense<0.000000e+00> : vector<64x1xf32>
    %dot_general3A_144 = tpu.matmul %convert_element_type3A_142, %broadcast_in_dim3A_139, %dot_general3A_143 {dimension_numbers = #tpu.dot_dimension_numbers<[1], [0], [0], [1], [0, 0, 1, 1], [], []>, transpose_lhs_hint = false} : vector<64x8732xbf16>, vector<8732x1xbf16>, vector<64x1xf32> -> vector<64x1xf32>
    %convert_element_type3A_145 = arith.fptosi %dot_general3A_144 : vector<64x1xf32> to vector<64x1xi32>
    %eq3A_146 = vector.broadcast %convert_element_type3A_145 : vector<64x1xi32> to vector<64x8732xi32>
    %eq3A_147 = arith.cmpi eq, %iota3A_126, %eq3A_146 : vector<64x8732xi32>
    %jit3A_148 = arith.constant 0.000000e+00 : f32
    %broadcast_in_dim3A_149 = vector.shape_cast %sub3A_107 : vector<1x8732xf32> to vector<1x8732xf32>
    %broadcast_in_dim3A_150 = vector.broadcast %broadcast_in_dim3A_149 : vector<1x8732xf32> to vector<64x8732xf32>
    %broadcast_in_dim3A_151 = vector.broadcast %jit3A_148 : f32 to vector<64x8732xf32>
    %select_n3A_152 = arith.select %eq3A_147, %broadcast_in_dim3A_150, %broadcast_in_dim3A_151 : vector<64x8732xi1>, vector<64x8732xf32>
    %convert_element_type3A_153 = arith.truncf %select_n3A_152 : vector<64x8732xf32> to vector<64x8732xbf16>
    %dot_general3A_154 = arith.constant dense<0.000000e+00> : vector<64x1xf32>
    %dot_general3A_155 = tpu.matmul %convert_element_type3A_153, %broadcast_in_dim3A_139, %dot_general3A_154 {dimension_numbers = #tpu.dot_dimension_numbers<[1], [0], [0], [1], [0, 0, 1, 1], [], []>, transpose_lhs_hint = false} : vector<64x8732xbf16>, vector<8732x1xbf16>, vector<64x1xf32> -> vector<64x1xf32>
    %mul3A_156 = arith.constant 3 : i32
    %mul3A_157 = arith.muli %reduce_sum3A_121, %mul3A_156 : i32
    %min3A_158 = arith.constant 64 : i32
    %min3A_159 = arith.minsi %mul3A_157, %min3A_158 : i32
    %convert_element_type3A_160 = arith.sitofp %min3A_159 : i32 to f32
    %iota3A_161 = tpu.iota {dimensions = array<i32: 0>} : vector<64x1xi32>
    %convert_element_type3A_162 = arith.sitofp %iota3A_161 : vector<64x1xi32> to vector<64x1xf32>
    %lt3A_163 = vector.broadcast %convert_element_type3A_160 : f32 to vector<64x1xf32>
    %lt3A_164 = arith.cmpf olt, %convert_element_type3A_162, %lt3A_163 : vector<64x1xf32>
    %jit3A_165 = arith.constant 0.000000e+00 : f32
    %broadcast_in_dim3A_166 = vector.broadcast %jit3A_165 : f32 to vector<64x1xf32>
    %select_n3A_167 = arith.select %lt3A_164, %dot_general3A_155, %broadcast_in_dim3A_166 : vector<64x1xi1>, vector<64x1xf32>
    %reduce_sum3A_168 = vector.shape_cast %select_n3A_167 : vector<64x1xf32> to vector<1x64x1xf32>
    %reduce_sum3A_169 = arith.constant dense<0.000000e+00> : vector<1xf32>
    %reduce_sum3A_170 = vector.multi_reduction <add>, %reduce_sum3A_168, %reduce_sum3A_169 [1, 2] : vector<1x64x1xf32> to vector<1xf32>
    %reduce_sum3A_171 = vector.shape_cast %reduce_sum3A_170 : vector<1xf32> to vector<1x1x1xf32>
    %reduce_sum3A_172 = vector.extract %reduce_sum3A_171[0, 0, 0] : f32 from vector<1x1x1xf32>
    %mul3A_173 = arith.mulf %sub3A_107, %convert_element_type3A_112 : vector<1x8732xf32>
    %reduce_sum3A_174 = vector.shape_cast %mul3A_173 : vector<1x8732xf32> to vector<1x1x8732xf32>
    %reduce_sum3A_175 = arith.constant dense<0.000000e+00> : vector<1xf32>
    %reduce_sum3A_176 = vector.multi_reduction <add>, %reduce_sum3A_174, %reduce_sum3A_175 [1, 2] : vector<1x1x8732xf32> to vector<1xf32>
    %reduce_sum3A_177 = vector.shape_cast %reduce_sum3A_176 : vector<1xf32> to vector<1x1x1xf32>
    %reduce_sum3A_178 = vector.extract %reduce_sum3A_177[0, 0, 0] : f32 from vector<1x1x1xf32>
    %add3A_179 = arith.addf %reduce_sum3A_178, %reduce_sum3A_172 : f32
    %convert_element_type3A_180 = arith.sitofp %reduce_sum3A_121 : i32 to f32
    %stack3A_181 = vector.broadcast %add3A_179 : f32 to vector<1xf32>
    %stack3A_182 = vector.broadcast %convert_element_type3A_180 : f32 to vector<1xf32>
    %stack3A_183 = tpu.concatenate %stack3A_181, %stack3A_182 in 0 : vector<1xf32>, vector<1xf32> -> vector<2xf32>
    %reshape3A_184 = vector.shape_cast %stack3A_183 : vector<2xf32> to vector<1x1x2xf32>
    %concatenate3A = tpu.concatenate %reshape3A, %reshape3A_184 in 0 : vector<1x1x2xf32>, vector<1x1x2xf32> -> vector<2x1x2xf32>
    %swap3A = arith.constant 0 : index
    %swap3A_185 = arith.constant 0 : index
    %swap3A_186 = arith.constant 0 : index
    %swap3A_187 = vector.load %arg3[%swap3A, %swap3A_185, %swap3A_186] : memref<2x1x2xf32, #tpu.memory_space<vmem>>, vector<2x1x2xf32>
    tpu.vector_store %arg3[%swap3A, %swap3A_185, %swap3A_186], %concatenate3A {strides = array<i32>} : memref<2x1x2xf32, #tpu.memory_space<vmem>>, vector<2x1x2xf32>,
    return
  }
  func.func @transform_0(%arg0: i32) -> (i32, i32, i32) {
    %c0_i32 = arith.constant 0 : i32
    %c0_i32_0 = arith.constant 0 : i32
    %c0_i32_1 = arith.constant 0 : i32
    return %arg0, %c0_i32, %c0_i32_0 : i32, i32, i32
  }
  func.func @transform_1(%arg0: i32) -> (i32, i32, i32) {
    %c0_i32 = arith.constant 0 : i32
    %c0_i32_0 = arith.constant 0 : i32
    %c0_i32_1 = arith.constant 0 : i32
    return %arg0, %c0_i32, %c0_i32_0 : i32, i32, i32
  }
  func.func @transform_2(%arg0: i32) -> (i32, i32, i32) {
    %c0_i32 = arith.constant 0 : i32
    %c0_i32_0 = arith.constant 0 : i32
    %c0_i32_1 = arith.constant 0 : i32
    return %arg0, %c0_i32, %c0_i32_0 : i32, i32, i32
  }
}

</mosaic_0001>

<sc_bundles>
// kernel: _run.4.cloned.1.call-start
scs
__scs_entry_jumppad:
0x0: {  	(pc) =	sbr.rel $0x88, $3  }
0x1: {  	(tag) =	ssettag $0x0;
	lr =	simm.s32 $0x1  }
0x2: {  	[smem:$0x3F9C] =	sst lr;
	_ =	strace $0xD0000000  }
0x3: {  	_ = 	snop  }
0x4: {  	_ = 	snop  }
0x5: {  	_ = 	snop  }
0x6: {  	_ = 	snop  }
0x7: {  	_ = 	snop  }
__scs_overlays_trampoline_lowered:
0x8: {  	[smem:$0x3FAB] =	sst s0  }
0x9: {  	[smem:$0x3FAC] =	sst s1  }
0xa: {  	[smem:$0x3FAD] =	sst s2  }
0xb: {  	[smem:$0x3FAE] =	sst s3  }
0xc: {  	[smem:$0x3FAF] =	sst s4  }
0xd: {  	[smem:$0x3FB0] =	sst s5  }
0xe: {  	[smem:$0x3FB1] =	sst s6  }
0xf: {  	[smem:$0x3FB2] =	sst s7  }
0x10: {  	[smem:$0x3FB3] =	sst s8  }
0x11: {  	[smem:$0x3FB4] =	sst s9;
	s0 =	simm.s32 @!p0 $0x0  }
0x12: {  	s1 =	sld [smem:$0x3F9A];
	s0 =	simm.s32 @p0 $0x1  }
0x13: {  	[smem:$0x3FB5] =	sst s0;
	s0 =	simm.s32 @!p1 $0x0  }
0x14: {  	s2 =	sld [smem:$0x3F99];
	s0 =	simm.s32 @p1 $0x1  }
0x15: {  	[smem:$0x3FB6] =	sst s0;
	s0 =	simm.s32 @!p2 $0x0  }
0x16: {  	s3 =	sld [smem:$0x3FDB];
	s0 =	simm.s32 @p2 $0x1  }
0x17: {  	s4 =	simm.s32 $0x1BF5;
	[smem:$0x3FB8] =	sst s0  }
0x18: {  	s0 =	sld [smem:$0x3F9B];
	_ =	swait.ge [sflag:s4], $0x0  }
0x19: {  	s7 =	sld [smem:$0x3F9C]  }
0x1a: {  	s8 =	sadd.s32 $0xFFFFE003, lr  }
0x1b: {  	s9 =	sadd.s32 $0xFFFFFEF7, lr;
	s5 =	simm.s32 $0xFFFFFFFF;
	p2 =	slt.u32 s8, $0xFFFFF086  }
0x1c: {  	p1 =	slt.u32 s9, $0xF7A;
	s5 =	simm.s32 @!p2 $0x0  }
0x1d: {  	s5 =	simm.s32 @p1 $0x1;
	p0 =	seq.s32 s7, s2  }
0x1e: {  	s7 =	smul.u32 @!p0 $0xF7A, s2;
	p2 =	seq.s32 @!p0 s5, $0x0  }
0x1f: {  	s9 =	smul.u32 $0xF7A, s1;
	s8 =	simm.s32 @!p0 $0x1BF5;
	p2 =	por !p2, p0  }
0x20: {  	[sflag:s8] =	ssyncset.s32 @!p0 $0xFFFFF086;
	s6 =	sadd.s32 @!p0 s3, s7;
	s7 =	simm.s32 @!p0 $0x108  }
0x21: {  	s3 =	sadd.s32 s3, s9;
	s6 =	sadd.s32 @!p0 $0x88, s6;
	s7 =	simm.s32 @p2 $0x1082  }
0x22: {  	[simem:s7], [sflag:s8] =	dma.local @!p0 [hbm:s6], $0xF7A  }
0x23: {  	s9 =	sor.u32 $0xD0000000, s2;
	s6 =	simm.s32 $0x108;
	_ =	swait.ge @!p0 [sflag:s8], $0x0  }
0x24: {  	s3 =	sadd.s32 $0x88, s3;
	s6 =	simm.s32 @!p1 $0x1082;
	[sflag:s4] =	ssyncset.s32 $0xFFFFF086  }
0x25: {  	[simem:s6], [sflag:s4] =	dma.local [hbm:s3], $0xF7A  }
0x26: {  	[smem:$0x3F9C] =	sst s1;
	(tag) =	ssettag s2;
	_ =	strace s9  }
0x27: {  	s1 =	sld [smem:$0x3FAC]  }
0x28: {  	s2 =	sld [smem:$0x3FAD]  }
0x29: {  	s4 =	sld [smem:$0x3FAF]  }
0x2a: {  	p0 =	seq.s32 s5, $0x0;
	s5 =	sld [smem:$0x3FB0]  }
0x2b: {  	s6 =	sld [smem:$0x3FB1]  }
0x2c: {  	s7 =	sld [smem:$0x3FB2]  }
0x2d: {  	s3 =	simm.s32 $0x108;
	s8 =	sld [smem:$0x3FB3]  }
0x2e: {  	s3 =	simm.s32 @!p0 $0x1082;
	s9 =	sld [smem:$0x3FB4]  }
0x2f: {  	lr =	sadd.s32 s0, s3;
	s0 =	sld [smem:$0x3FAB]  }
0x30: {  	s3 =	sld [smem:$0x3FAE]  }
0x31: {  	[smem:$0x3FB7] =	sst s10  }
0x32: {  	s10 =	sld [smem:$0x3FB5];
	_ =	sdelay $0x3  }
0x33: {  	p0 =	seq.s32 s10, $0x1;
	s10 =	sld [smem:$0x3FB7];
	_ =	sdelay $0x3  }
0x34: {  	[smem:$0x3FB7] =	sst s10  }
0x35: {  	s10 =	sld [smem:$0x3FB6];
	_ =	sdelay $0x3  }
0x36: {  	p1 =	seq.s32 s10, $0x1;
	s10 =	sld [smem:$0x3FB7];
	_ =	sdelay $0x3  }
0x37: {  	[smem:$0x3FB7] =	sst s10  }
0x38: {  	s10 =	sld [smem:$0x3FB8]  }
0x39: {  	_ = 	snop;
	(pc) =	sbr.ind lr, $3  }
0x3a: {  	_ = 	snop  }
0x3b: {  	_ = 	snop  }
0x3c: {  	p2 =	seq.s32 s10, $0x1;
	s10 =	sld [smem:$0x3FB7]  }
0x3d: {  	_ =	shalt  }
0x3e: {  	_ =	shalt  }
0x3f: {  	_ =	shalt  }
0x40: {  	_ =	shalt  }
0x41: {  	_ =	shalt  }
0x42: {  	_ =	shalt  }
0x43: {  	_ =	shalt  }
0x44: {  	_ =	shalt  }
0x45: {  	_ =	shalt  }
0x46: {  	_ =	shalt  }
0x47: {  	_ =	shalt  }
0x48: {  	_ =	shalt  }
0x49: {  	_ =	shalt  }
0x4a: {  	_ =	shalt  }
0x4b: {  	_ =	shalt  }
0x4c: {  	_ =	shalt  }
0x4d: {  	_ =	shalt  }
0x4e: {  	_ =	shalt  }
0x4f: {  	_ =	shalt  }
0x50: {  	_ =	shalt  }
0x51: {  	_ =	shalt  }
0x52: {  	_ =	shalt  }
0x53: {  	_ =	shalt  }
0x54: {  	_ =	shalt  }
0x55: {  	_ =	shalt  }
0x56: {  	_ =	shalt  }
0x57: {  	_ =	shalt  }
0x58: {  	_ =	shalt  }
0x59: {  	_ =	shalt  }
0x5a: {  	_ =	shalt  }
0x5b: {  	_ =	shalt  }
0x5c: {  	_ =	shalt  }
0x5d: {  	_ =	shalt  }
0x5e: {  	_ =	shalt  }
0x5f: {  	_ =	shalt  }
0x60: {  	_ =	shalt  }
0x61: {  	_ =	shalt  }
0x62: {  	_ =	shalt  }
0x63: {  	_ =	shalt  }
0x64: {  	_ =	shalt  }
0x65: {  	_ =	shalt  }
0x66: {  	_ =	shalt  }
0x67: {  	_ =	shalt  }
0x68: {  	_ =	shalt  }
0x69: {  	_ =	shalt  }
0x6a: {  	_ =	shalt  }
0x6b: {  	_ =	shalt  }
0x6c: {  	_ =	shalt  }
0x6d: {  	_ =	shalt  }
0x6e: {  	_ =	shalt  }
0x6f: {  	_ =	shalt  }
0x70: {  	_ =	shalt  }
0x71: {  	_ =	shalt  }
0x72: {  	_ =	shalt  }
0x73: {  	_ =	shalt  }
0x74: {  	_ =	shalt  }
0x75: {  	_ =	shalt  }
0x76: {  	_ =	shalt  }
0x77: {  	_ =	shalt  }
0x78: {  	_ =	shalt  }
0x79: {  	_ =	shalt  }
0x7a: {  	_ =	shalt  }
0x7b: {  	_ =	shalt  }
0x7c: {  	_ =	shalt  }
0x7d: {  	_ =	shalt  }
0x7e: {  	_ =	shalt  }
0x7f: {  	_ =	shalt  }
0x80: {  	_ =	shalt  }
0x81: {  	_ =	shalt  }
0x82: {  	_ =	shalt  }
0x83: {  	_ =	shalt  }
0x84: {  	_ =	shalt  }
0x85: {  	_ =	shalt  }
0x86: {  	_ =	shalt  }
0x87: {  	_ =	shalt  }
.Lfunc_end0:
.L_simem_size_0:
called_computation_lowered:
.L_overlay_start_0:
0x88: {  	s2 =	sld [smem:$0x3FD9]  }
0x89: {  	s3 =	sld [smem:$0x3FFE];
	_ =	sdelay $0x1  }
0x8a: {  	s1 =	srdreg.scid  }
0x8b: {  	s0 =	sand.u32 $0x1, s1  }
0x8c: {  	s17 =	sshll.u32 s0, $0xA;
	s2 =	sadd.s32 s3, s2  }
0x8d: {  	s2 =	sadd.s32 s2, s17  }
0x8e: {  	[smem:$0x3FC3] =	sst s2  }
0x8f: {  	_ = 	snop  }
0x90: {  	s2 =	sld [smem:$0x3FC9]  }
0x91: {  	s18 =	sld [smem:$0x3FC7]  }
0x92: {  	s4 =	sld [smem:$0x3FC6]  }
0x93: {  	s5 =	sld [smem:$0x3FC5];
	(tm) =	ssettm $0x1  }
0x94: {  	s6 =	sld [smem:$0x3FFB];
	_ =	sdelay $0x3  }
0x95: {  	_ =	strace s6  }
0x96: {  	s6 =	sld [smem:$0x3FFC];
	_ =	sdelay $0x3  }
0x97: {  	_ =	strace s6  }
0x98: {  	s6 =	sld [smem:$0x3FFD];
	_ =	sdelay $0x3  }
0x99: {  	_ =	strace s6  }
0x9a: {  	_ =	strace $0x8FFFFFFF  }
0x9b: {  	s19 =	sld [smem:$0x3FDB];
	_ =	sdelay $0x1  }
0x9c: {  	s7 =	simm.s32 $_scs_section_size  }
0x9d: {  	s8 =	simm.s32 $_size__tile_overlayer_lowered;
	s9 =	simm.s32 $_tile_overlayer_lowered  }
0x9e: {  	s22 =	simm.s32 $0x1BFF;
	s21 =	sshll.u32 s9, $0x1;
	s6 =	sadd.s32 s7, s19  }
0x9f: {  	s10 =	simm.s32 $0x0;
	s20 =	sshll.u32 s8, $0x1;
	s8 =	sadd.s32 s21, s6  }
0xa0: {  	[timem:s10], [sflag:s22] =	dma.local [hbm:s8], s20  }
0xa1: {  	_ =	swait.ge [sflag:s22], s20  }
0xa2: {  	s7 =	ssub.s32 $0x0, s20;
	[sflag:s22] =	ssyncset.done $0x0  }
0xa3: {  	[sflag:s22] =	ssyncadd.s32 s7;
	_ =	sdelay $0x1  }
0xa4: {  	s23 =	simm.s32 $0x1B8B  }
0xa5: {  	_ =	swait.ge [sflag:s23], $0x1  }
0xa6: {  	[sflag:s23] =	ssyncset.done $0x0  }
0xa7: {  	s25 =	simm.s32 $0x1B8E;
	s24 =	sld [smem:$0x3FFE];
	[sflag:s23] =	ssyncadd.s32 $0xFFFFFFFF  }
0xa8: {  	s26 =	simm.s32 $execute0_lowered;
	[smem:$0x3FD2] =	sst s25  }
0xa9: {  	s8 =	sshll.u32 s26, $0x1;
	_ =	strace $0x80000046;
	[dreg:$0x1] =	wrdreg $0xFFFFFFFF  }
0xaa: {  	s28 =	simm.s32 $_size_execute0_lowered;
	s6 =	sadd.s32 s6, s8;
	[dreg:$0x0] =	wrdreg $0x0  }
0xab: {  	s8 =	sshll.u32 s28, $0x1;
	[dreg:$0x2] =	wrdreg s6  }
0xac: {  	[dreg:$0x3] =	wrdreg s8  }
0xad: {  	[dreg:$0x4] =	wrdreg $0xC0  }
0xae: {  	_ =	task [dreg:s10], $0x5FFFF  }
0xaf: {  	[dreg:$0x1] =	wrdreg $0xFFFFFFFF  }
0xb0: {  	[dreg:$0x0] =	wrdreg $0x60  }
0xb1: {  	[dreg:$0x2] =	wrdreg s2  }
0xb2: {  	[dreg:$0x3] =	wrdreg s18  }
0xb3: {  	[dreg:$0x4] =	wrdreg s4  }
0xb4: {  	[dreg:$0x5] =	wrdreg s5  }
0xb5: {  	[dreg:$0x6] =	wrdreg s24  }
0xb6: {  	[dreg:$0x7] =	wrdreg $0x9  }
0xb7: {  	_ =	task.clear_ibuf [dreg:s10], $0x8FFFF;
	_ =	strace $0x90000046  }
0xb8: {  	s29 =	simm.s32 $0x9;
	_ =	strace $0x80000048  }
0xb9: {  	_ =	swait.ge [sflag:s29], $0x1  }
0xba: {  	[sflag:s29] =	ssyncadd.s32 $0xFFFFFFFF  }
0xbb: {  	_ =	strace $0x90000048  }
0xbc: {  	_ =	sfence  }
0xbd: {  	s30 =	sld [smem:$0x0];
	_ =	sdelay $0x2  }
0xbe: {  	s31 =	sshll.u32 s1, $0xD;
	s1 =	sshrl.u32 s1, $0x2  }
0xbf: {  	s3 =	sand.u32 $0x4000, s31;
	s1 =	sadd.s32 s1, s30  }
0xc0: {  	s0 =	sor.u32 s3, s0;
	s1 =	sshll.u32 s1, $0x11  }
0xc1: {  	s0 =	sor.u32 s1, s0  }
0xc2: {  	s0 =	sadd.s32 $0x8F2B, s0  }
0xc3: {  	[sflag:s0] =	ssyncadd.remote.s32 $0x1  }
0xc4: {  	_ =	sfence.sel $0xFFFF  }
0xc5: {  	[dreg:$0x0] =	wrdreg $0xFFFFFFFF;
	(pc) =	sbr.abs _section_cstart, $3  }
0xc6: {  	[dreg:$0x1] =	wrdreg $0xFFFFFFFF  }
0xc7: {  	_ =	task.clear_ibuf [dreg:s10], $0x2FFFF;
	_ =	strace $0x9FFFFFFF  }
0xc8: {  	(tm) =	ssettm $0x7FFFFFFF  }
0xc9: {  	_ =	shalt  }
tec
execute0_lowered:
.L_overlay_start_1:
0x0: {  	(tag) =	ssettag $0x1  }
0x1: {  	s7 =	rddreg [dreg:$0x0]  }
0x2: {  	s8 =	rddreg [dreg:$0x1]  }
0x3: {  	s9 =	rddreg [dreg:$0x2]  }
0x4: {  	s1 =	rddreg [dreg:$0x3]  }
0x5: {  	s10 =	rddreg [dreg:$0x4]  }
0x6: {  	s0 =	rddreg [dreg:$0x5];
	s3 =	simm.s32 $0x0;
	s4 =	srdreg.scid  }
0x7: {  	s2 =	stileid.u32;
	s16 =	simm.s32 $0x400;
	s17 =	simm.s32 $0x19E00  }
0x8: {  	s18 =	simm.s32 $0x1C080;
	s19 =	simm.s32 $0x0;
	[smem:$0x7FF] =	sst s3  }
0x9: {  	s4 =	sand.u32 $0x1, s4;
	s5 =	sshll.u32 s2, $0x1;
	s6 =	sshrl.u32 s2, $0x1  }
0xa: {  	s11 =	sor.u32 s4, s5;
	s4 =	ssub.s32 $0x2, s4;
	s13 =	smul.u32 $0x11400, s6  }
0xb: {  	_ =	strace $0x80000047;
	s5 =	smul.u32 $0x2280, s11;
	s12 =	sshrl.u32 s4, $0x1  }
0xc: {  	v0 =	vimm.s32 $0xBA987654;
	v1 =	vimm.s32 $0x3210FEDC;
	s31 =	sshll.u32 s11, $0x8;
	s14 =	sshllo.u32 s11, $0x1;
	s11 =	sshll.u32 s11, $0x5  }
0xd: {  	v0 =	vunpack.c.l.s4.s8 v0;
	v1 =	vunpack.c.l.s4.s8 v1;
	s12 =	ssub.s32 s4, s12;
	s6 =	sand.u32 $0x300, s31;
	s15 =	sshll.u32 s14, $0x7  }
0xe: {  	s14 =	smul.u32 $0x1140, s14;
	s10 =	sadd.s32 s10, s11;
	s4 =	sadd.s32 s7, s5  }
0xf: {  	v0 =	vunpack.c.0.s8.s32 v0;
	v1 =	vunpack.c.0.s8.s32 v1;
	s6 =	sor.u32 s13, s6;
	s15 =	sand.u32 $0x380, s15;
	s5 =	sadd.s32 s8, s5  }
0x10: {  	s11 =	smax.u32 s12, $0x1;
	s12 =	simm.s32 $0x11400;
	s6 =	sshrl.u32 s6, $0x3  }
0x11: {  	v0 =	vcombine.low v1, v0;
	s13 =	sor.u32 s13, s15;
	s7 =	sadd.s32 s7, s14;
	s8 =	sadd.s32 s8, s14  }
0x12: {  	s14 =	simm.s32 $0x8A00;
	s15 =	simm.s32 $0x80;
	s13 =	sshrl.u32 s13, $0x3  }
0x13: {  	vm0 =	vmmov $0xf;
	vm1 =	vcmask $0x3F10;
	s6 =	sadd.s32 s9, s6;
	v0 =	vand.u32 $0xF, v0;
	s9 =	sadd.s32 s9, s13;
	s13 =	simm.s32 $0x1  }
.LBB2_1:
0x14: {  	[tilespmem:s12], [sflag:$0x1] =	stream.linear.gather [hbm4b:s1+s3], $0x8A00, $0x38;
	[tilespmem:$0x1C180] =	vst v63  }
0x15: {  	_ =	swait.ge [sflag:s13], $0x8A00  }
0x16: {  	[sflag:s13] =	ssyncset.done $0x0  }
0x17: {  	[sflag:s13] =	ssyncadd.s32 $0xFFFF7600  }
0x18: {  	[tilespmem:s3], [sflag:$0x1] =	stream.linear.gather [hbm4b:s4+s3], $0x8A00, $0x38;
	[tilespmem:$0x1C180] =	vst v63  }
0x19: {  	_ =	swait.ge [sflag:s13], $0x8A00  }
0x1a: {  	[sflag:s13] =	ssyncset.done $0x0  }
0x1b: {  	[sflag:s13] =	ssyncadd.s32 $0xFFFF7600  }
0x1c: {  	[tilespmem:s14], [sflag:$0x1] =	stream.linear.gather [hbm4b:s5+s3], $0x8A00, $0x38;
	[tilespmem:$0x1C180] =	vst v63  }
0x1d: {  	_ =	swait.ge [sflag:s13], $0x8A00  }
0x1e: {  	[sflag:s13] =	ssyncset.done $0x0  }
0x1f: {  	[sflag:s13] =	ssyncadd.s32 $0xFFFF7600  }
0x20: {  	[tilespmem:s17], [sflag:$0x1] =	stream.strided.gather [hbm4b:s6+s15], $0x2280, s16, s15, $0x38;
	[tilespmem:$0x1C180] =	vst v63  }
0x21: {  	_ =	swait.ge [sflag:s13], $0x2280  }
0x22: {  	s20 =	sand.u32 $0x70, s3;
	s21 =	sand.u32 $0xFE00, s3;
	[sflag:s13] =	ssyncset.done $0x0  }
0x23: {  	s20 =	sor.u32 s20, s21;
	[sflag:s13] =	ssyncadd.s32 $0xFFFFDD80  }
0x24: {  	v1 =	vld [tilespmem:s20+$0x11580]  }
0x25: {  	v2 =	vld [tilespmem:s20+$0x11500];
	_ =	sdelay $0x3  }
0x26: {  	v3 =	vld [tilespmem:s20+$0x8A00];
	(erf) = vrcp.f32 v1  }
0x27: {  	v4 =	vld [tilespmem:s20+$0x11400];
	(erf) = vrcp.f32 v2  }
0x28: {  	v5 =	vld [tilespmem:s20+$0x8A80]  }
0x29: {  	v6 =	vld [tilespmem:s20+$0x11480]  }
0x2a: {  	s22 =	simm.s32 $0x10;
	s21 =	simm.s32 $0x40  }
0x2b: {  	s22 =	sand.u32 $0x70, s22;
	s23 =	sand.u32 $0xFE00, s21  }
0x2c: {  	s23 =	sor.u32 s22, s23;
	v8 =	vld [tilespmem:s20+$0x100]  }
0x2d: {  	v11 =	vld [tilespmem:s23+$0x11580];
	v4 =	vsub.f32 v3, v4;
	v1 =	vsub.f32 v5, v1  }
0x2e: {  	v5 =	vsub.f32 v5, v6;
	v2 =	vsub.f32 v3, v2;
	v3 =	vld [tilespmem:s20+$0x0]  }
0x2f: {  	v6 =	vld [tilespmem:s20+$0x80];
	v4 =	vmul.f32 $1.000000000e+01, v4;
	v9 =	vpop (erf)  }
0x30: {  	v12 =	vld [tilespmem:s23+$0x11500];
	v5 =	vmul.f32 $1.000000000e+01, v5;
	v2 =	vmul.f32 $5.000000000e+00, v2;
	v10 =	vpop (erf)  }
0x31: {  	v7 =	vld [tilespmem:s20+$0x180];
	v1 =	vmul.f32 $5.000000000e+00, v1;
	v4 =	vmul.f32 v10, v4  }
0x32: {  	v5 =	vmul.f32 v9, v5;
	v2 =	vmul.f32 v2, v10  }
0x33: {  	(erf) = vrcp.f32 v11;
	v3 =	vsub.f32 v3, v4  }
0x34: {  	v10 =	vmul.f32 v1, v9;
	v5 =	vsub.f32 v6, v5;
	v2 =	vsub.f32 v8, v2  }
0x35: {  	(erf) = vrcp.f32 v12;
	v4 =	vmul.f32 $5.000000000e-01, v3  }
0x36: {  	v7 =	vsub.f32 v7, v10;
	v14 =	vand.u32 $0x7FFFFFFF, v5;
	v6 =	vand.u32 $0x7FFFFFFF, v2  }
0x37: {  	v9 =	vand.u32 $0x7FFFFFFF, v3;
	v3 =	vmul.f32 v4, v3;
	v4 =	vmul.f32 $5.000000000e-01, v5  }
0x38: {  	v8 =	vmul.f32 $5.000000000e-01, v7;
	v15 =	vmul.f32 $5.000000000e-01, v2;
	v13 =	vadd.f32 $-5.000000000e-01, v9  }
0x39: {  	v16 =	vld [tilespmem:s23+$0x11400];
	v3 =	vadd.f32 $0.0e+00, v3;
	v4 =	vmul.f32 v4, v5;
	v5 =	vadd.f32 $-5.000000000e-01, v14  }
0x3a: {  	v10 =	vld [tilespmem:s23+$0x8A00];
	vm3 =	vlt.f32 v14, $1.000000000e+00;
	vm2 =	vlt.f32 v9, $1.000000000e+00;
	v9 =	vadd.f32 $-5.000000000e-01, v6  }
0x3b: {  	v17 =	vld [tilespmem:s23+$0x8A80];
	v2 =	vmul.f32 v15, v2;
	v3 =	vsel vm2, v3, v13;
	v4 =	vsel vm3, v4, v5  }
0x3c: {  	s30 =	simm.s32 $0x0;
	v14 =	vld [tilespmem:s23+$0x11480];
	vm2 =	vlt.f32 v6, $1.000000000e+00;
	v6 =	vand.u32 $0x7FFFFFFF, v7;
	v7 =	vmul.f32 v8, v7  }
0x3d: {  	v13 =	vld [tilespmem:s30+$0x19E00];
	v3 =	vadd.f32 v4, v3;
	v2 =	vsel vm2, v2, v9;
	v9 =	vadd.f32 $-5.000000000e-01, v6  }
0x3e: {  	v5 =	vld [tilespmem:s23+$0x100];
	vm2 =	vlt.f32 v6, $1.000000000e+00  }
0x3f: {  	s31 =	simm.s32 $0x20;
	s20 =	simm.s32 $0x80;
	v15 =	vsub.f32 v10, v16;
	v8 =	vld [tilespmem:s23+$0x0];
	v2 =	vadd.f32 v2, v3;
	v9 =	vsel vm2, v7, v9  }
0x40: {  	s22 =	sand.u32 $0x70, s31;
	s24 =	sand.u32 $0xFE00, s20;
	v11 =	vsub.f32 v17, v11;
	v1 =	vimm.f32 $0.0e+00;
	v4 =	vld [tilespmem:s23+$0x180];
	v3 =	vsub.f32 v10, v12  }
0x41: {  	s22 =	sor.u32 s22, s24;
	v6 =	vpop (erf);
	v12 =	vmul.f32 $1.000000000e+01, v15;
	v14 =	vsub.f32 v17, v14;
	v7 =	vld [tilespmem:s23+$0x80];
	v15 =	vadd.f32 v9, v2  }
0x42: {  	v11 =	vmul.f32 $5.000000000e+00, v11;
	v2 =	vld [tilespmem:s22+$0x11580];
	v10 =	vmul.f32 $5.000000000e+00, v3;
	vm2 =	vgt.s32 v13, $0x0;
	v9 =	vpop (erf)  }
0x43: {  	s23 =	simm.s32 $0x30;
	v3 =	vld [tilespmem:s22+$0x11500];
	v13 =	vmul.f32 $1.000000000e+01, v14;
	v12 =	vmul.f32 v9, v12;
	v14 =	vnsel vm2, $0x0, v15  }
.LBB2_2:
0x44: {  	p0 =	sne.s32 s23, $0x2200;
	v9 =	vmul.f32 v10, v9;
	v10 =	vmul.f32 v11, v6;
	v1 =	vadd.f32 v14, v1  }
0x45: {  	v6 =	vmul.f32 v6, v13;
	v8 =	vsub.f32 v8, v12  }
0x46: {  	v5 =	vsub.f32 v5, v9;
	v9 =	vsub.f32 v4, v10  }
0x47: {  	(erf) = vrcp.f32 v2;
	v4 =	vmul.f32 $5.000000000e-01, v8;
	v6 =	vsub.f32 v7, v6  }
0x48: {  	(erf) = vrcp.f32 v3;
	v7 =	vand.u32 $0x7FFFFFFF, v5;
	v10 =	vmul.f32 $5.000000000e-01, v9  }
0x49: {  	v11 =	vand.u32 $0x7FFFFFFF, v8;
	v4 =	vmul.f32 v4, v8;
	v8 =	vmul.f32 $5.000000000e-01, v6  }
0x4a: {  	v13 =	vadd.f32 $-5.000000000e-01, v11;
	v15 =	vmul.f32 $5.000000000e-01, v5;
	v14 =	vand.u32 $0x7FFFFFFF, v6;
	v12 =	vld [tilespmem:s22+$0x8A00]  }
0x4b: {  	v16 =	vld [tilespmem:s22+$0x11400];
	v4 =	vadd.f32 $0.0e+00, v4;
	v6 =	vmul.f32 v8, v6;
	v8 =	vadd.f32 $-5.000000000e-01, v14  }
0x4c: {  	vm2 =	vlt.f32 v11, $1.000000000e+00;
	v11 =	vadd.f32 $-5.000000000e-01, v7;
	vm3 =	vlt.f32 v14, $1.000000000e+00;
	v17 =	vld [tilespmem:s22+$0x8A80]  }
0x4d: {  	s24 =	sshra.s32 s21, $0x2;
	s21 =	smov.u32 s20;
	v5 =	vmul.f32 v15, v5;
	v14 =	vld [tilespmem:s22+$0x11480];
	v4 =	vsel vm2, v4, v13;
	v6 =	vsel vm3, v6, v8  }
0x4e: {  	vm2 =	vlt.f32 v7, $1.000000000e+00;
	v7 =	vand.u32 $0x7FFFFFFF, v9;
	v8 =	vadd.f32 v6, v4;
	v13 =	vld [tilespmem:s24+$0x19E00]  }
0x4f: {  	v10 =	vmul.f32 v10, v9;
	v11 =	vsel vm2, v5, v11;
	v15 =	vadd.f32 $-5.000000000e-01, v7;
	v4 =	vld [tilespmem:s22+$0x180]  }
.Ltmp0:
0x50: {  	s20 =	sadd.s32 $0x40, s20;
	vm2 =	vlt.f32 v7, $1.000000000e+00;
	v16 =	vsub.f32 v12, v16;
	v5 =	vld [tilespmem:s22+$0x100];
	v6 =	vpop (erf);
	v11 =	vadd.f32 v11, v8;
	(pc) =	sbr.rel @p0 .LBB2_2-.Ltmp0, $4  }
0x51: {  	s25 =	sand.u32 $0xFE00, s20;
	s24 =	sand.u32 $0x70, s23;
	v3 =	vsub.f32 v12, v3;
	v12 =	vsub.f32 v17, v2;
	v8 =	vld [tilespmem:s22+$0x0];
	v9 =	vpop (erf);
	v2 =	vsel vm2, v10, v15  }
0x52: {  	v15 =	vmul.f32 $1.000000000e+01, v16;
	v14 =	vsub.f32 v17, v14;
	v7 =	vld [tilespmem:s22+$0x80];
	s22 =	sor.u32 s24, s25;
	v16 =	vadd.f32 v2, v11  }
0x53: {  	v10 =	vmul.f32 $5.000000000e+00, v3;
	v2 =	vld [tilespmem:s22+$0x11580];
	v11 =	vmul.f32 $5.000000000e+00, v12;
	vm2 =	vgt.s32 v13, $0x0  }
0x54: {  	s23 =	sadd.s32 $0x10, s23;
	v3 =	vld [tilespmem:s22+$0x11500];
	v12 =	vmul.f32 v9, v15;
	v13 =	vmul.f32 $1.000000000e+01, v14;
	v14 =	vnsel vm2, $0x0, v16  }
0x55: {  	v9 =	vmul.f32 v10, v9;
	v10 =	vmul.f32 v11, v6  }
0x56: {  	v1 =	vadd.f32 v14, v1;
	v15 =	vld [tilespmem:s22+$0x8A80];
	v8 =	vsub.f32 v8, v12;
	v6 =	vmul.f32 v6, v13  }
0x57: {  	v18 =	vld [tilespmem:s22+$0x11480];
	v5 =	vsub.f32 v5, v9;
	v4 =	vsub.f32 v4, v10  }
0x58: {  	(erf) = vrcp.f32 v2;
	v9 =	vmul.f32 $5.000000000e-01, v8;
	v6 =	vsub.f32 v7, v6  }
0x59: {  	v11 =	vld [tilespmem:s22+$0x8A00];
	v12 =	vand.u32 $0x7FFFFFFF, v8;
	(erf) = vrcp.f32 v3;
	v10 =	vand.u32 $0x7FFFFFFF, v5  }
0x5a: {  	v7 =	vld [tilespmem:s22+$0x11400];
	v14 =	vadd.f32 $-5.000000000e-01, v12;
	v17 =	vmul.f32 $5.000000000e-01, v5;
	v8 =	vmul.f32 v9, v8  }
0x5b: {  	vm2 =	vlt.f32 v12, $1.000000000e+00;
	v9 =	vmul.f32 $5.000000000e-01, v4;
	v13 =	vmul.f32 $5.000000000e-01, v6  }
0x5c: {  	v16 =	vand.u32 $0x7FFFFFFF, v6;
	v12 =	vadd.f32 $-5.000000000e-01, v10;
	v39 =	vsub.f32 v15, v18  }
0x5d: {  	v8 =	vadd.f32 $0.0e+00, v8;
	v6 =	vmul.f32 v13, v6;
	v13 =	vadd.f32 $-5.000000000e-01, v16  }
0x5e: {  	v3 =	vsub.f32 v11, v3;
	vm3 =	vlt.f32 v16, $1.000000000e+00;
	v5 =	vmul.f32 v17, v5  }
0x5f: {  	v7 =	vsub.f32 v11, v7;
	v8 =	vsel vm2, v8, v14;
	v6 =	vsel vm3, v6, v13  }
0x60: {  	vm2 =	vlt.f32 v10, $1.000000000e+00;
	v10 =	vand.u32 $0x7FFFFFFF, v4;
	v4 =	vmul.f32 v9, v4;
	v9 =	vld [tilespmem:s22+$0x80]  }
0x61: {  	v2 =	vsub.f32 v15, v2;
	v15 =	vmul.f32 $1.000000000e+01, v39;
	v13 =	vld [tilespmem:s22+$0x0];
	v6 =	vadd.f32 v6, v8  }
0x62: {  	v40 =	vld [tilespmem:s22+$0x100];
	v7 =	vmul.f32 $1.000000000e+01, v7;
	v5 =	vsel vm2, v5, v12;
	v11 =	vadd.f32 $-5.000000000e-01, v10;
	v8 =	vpop (erf)  }
0x63: {  	v42 =	vld.msk [tilespmem:$0x19C10], $0xfff;
	vm2 =	vlt.f32 v10, $1.000000000e+00;
	v5 =	vadd.f32 v5, v6;
	v12 =	vpop (erf);
	v10 =	vmul.f32 v8, v15  }
0x64: {  	v3 =	vmul.f32 $5.000000000e+00, v3;
	v14 =	vld [tilespmem:s22+$0x180];
	v4 =	vsel vm2, v4, v11;
	v7 =	vmul.f32 v12, v7  }
0x65: {  	v2 =	vmul.f32 $5.000000000e+00, v2;
	v4 =	vadd.f32 v4, v5;
	v5 =	vsub.f32 v9, v10;
	v9 =	vld.msk [tilespmem:$0x11210], $0xfff  }
0x66: {  	v3 =	vmul.f32 v3, v12;
	v6 =	vsub.f32 v13, v7;
	v7 =	vld [tilespmem:$0x19D00]  }
0x67: {  	v2 =	vmul.f32 v2, v8;
	v15 =	vld [tilespmem:$0x19C00]  }
0x68: {  	v12 =	vld.msk [tilespmem:$0x19D10], $0xfff;
	v3 =	vsub.f32 v40, v3;
	v11 =	vmul.f32 $5.000000000e-01, v6  }
0x69: {  	v2 =	vsub.f32 v14, v2;
	v13 =	vld [tilespmem:$0x11200];
	v41 =	vand.u32 $0x7FFFFFFF, v5  }
0x6a: {  	v10 =	vld [tilespmem:$0x19D80];
	v19 =	vmul.f32 $5.000000000e-01, v3;
	v8 =	vmul.f32 v11, v6;
	v6 =	vand.u32 $0x7FFFFFFF, v6  }
0x6b: {  	s21 =	sshra.s32 s21, $0x2;
	v46 =	vld.msk [tilespmem:$0x11290], $0xfff;
	v11 =	vmul.f32 $5.000000000e-01, v5;
	v17 =	vsub.f32 v9, v42;
	(erf) = vrcp.f32 v7  }
0x6c: {  	v43 =	vld [tilespmem:s21+$0x19E00];
	v14 =	vadd.f32 $-5.000000000e-01, v6;
	vm2 =	vlt.f32 v6, $1.000000000e+00;
	v6 =	vadd.f32 $-5.000000000e-01, v41  }
0x6d: {  	v8 =	vadd.f32 $0.0e+00, v8;
	v5 =	vmul.f32 v11, v5;
	v11 =	vld.msk [tilespmem:$0x19D90], $0xfff;
	(erf) = vrcp.f32 v12  }
0x6e: {  	vm3 =	vlt.f32 v41, $1.000000000e+00;
	v15 =	vsub.f32 v13, v15;
	v7 =	vsub.f32 v13, v7;
	v13 =	vld.msk [tilespmem:$0x19C90], $0xfff  }
0x6f: {  	v9 =	vsub.f32 v9, v12;
	(erf) = vrcp.f32 v10;
	v8 =	vsel vm2, v8, v14;
	v14 =	vld [tilespmem:$0x11280]  }
0x70: {  	v44 =	vand.u32 $0x7FFFFFFF, v3;
	v3 =	vmul.f32 v19, v3;
	v5 =	vsel vm3, v5, v6;
	v6 =	vld [tilespmem:$0x19C80]  }
0x71: {  	v9 =	vmul.f32 $5.000000000e+00, v9;
	v15 =	vmul.f32 $1.000000000e+01, v15  }
0x72: {  	v45 =	vadd.f32 $-5.000000000e-01, v44;
	v7 =	vmul.f32 $5.000000000e+00, v7;
	(erf) = vrcp.f32 v11  }
0x73: {  	v47 =	vld [tilespmem:$0x8800];
	vm3 =	vlt.f32 v44, $1.000000000e+00;
	vm2 =	vgt.s32 v43, $0x0;
	v13 =	vsub.f32 v46, v13  }
0x74: {  	v49 =	vld.msk [tilespmem:$0x8810], $0xfff;
	v3 =	vsel vm3, v3, v45;
	v5 =	vadd.f32 v5, v8;
	v8 =	vmul.f32 $1.000000000e+01, v17  }
0x75: {  	v11 =	vsub.f32 v46, v11;
	v13 =	vmul.f32 $1.000000000e+01, v13;
	v6 =	vsub.f32 v14, v6;
	v48 =	vpop (erf)  }
0x76: {  	v51 =	vld [tilespmem:$0x8880];
	v10 =	vsub.f32 v14, v10;
	v14 =	vmul.f32 $5.000000000e-01, v2;
	v15 =	vmul.f32 v48, v15;
	v12 =	vpop (erf)  }
0x77: {  	v4 =	vnsel vm2, $0x0, v4;
	v6 =	vmul.f32 $1.000000000e+01, v6;
	v8 =	vmul.f32 v12, v8  }
0x78: {  	v11 =	vmul.f32 $5.000000000e+00, v11;
	v7 =	vmul.f32 v7, v48;
	v50 =	vpop (erf);
	v15 =	vsub.f32 v47, v15  }
0x79: {  	v10 =	vmul.f32 $5.000000000e+00, v10;
	v6 =	vmul.f32 v50, v6;
	v8 =	vsub.f32 v49, v8  }
0x7a: {  	v53 =	vld.msk [tilespmem:$0x8890], $0xfff;
	v3 =	vadd.f32 v3, v5;
	v9 =	vmul.f32 v9, v12;
	v12 =	vmul.f32 $5.000000000e-01, v15  }
0x7b: {  	v10 =	vmul.f32 v10, v50;
	v6 =	vsub.f32 v51, v6;
	v5 =	vpop (erf);
	v52 =	vmul.f32 $5.000000000e-01, v8  }
0x7c: {  	v55 =	vld [tilespmem:$0x8900];
	v13 =	vmul.f32 v5, v13;
	v12 =	vmul.f32 v12, v15;
	v15 =	vand.u32 $0x7FFFFFFF, v15  }
0x7d: {  	v16 =	vmul.f32 v52, v8;
	v8 =	vand.u32 $0x7FFFFFFF, v8;
	v54 =	vadd.f32 $-5.000000000e-01, v15  }
0x7e: {  	v5 =	vmul.f32 v11, v5;
	v11 =	vadd.f32 $-5.000000000e-01, v8;
	v12 =	vadd.f32 $0.0e+00, v12  }
0x7f: {  	vm2 =	vlt.f32 v15, $1.000000000e+00;
	v13 =	vsub.f32 v53, v13;
	v15 =	vadd.f32 $0.0e+00, v16  }
0x80: {  	v57 =	vld.msk [tilespmem:$0x8910], $0xfff;
	vm3 =	vlt.f32 v8, $1.000000000e+00;
	v8 =	vsel vm2, v12, v54;
	v12 =	vmul.f32 $5.000000000e-01, v6  }
0x81: {  	v7 =	vsub.f32 v55, v7;
	v56 =	vmul.f32 $5.000000000e-01, v13;
	v11 =	vsel vm3, v15, v11  }
0x82: {  	v15 =	vand.u32 $0x7FFFFFFF, v6;
	v6 =	vmul.f32 v12, v6;
	v12 =	vand.u32 $0x7FFFFFFF, v13  }
0x83: {  	vm2 =	vlt.f32 v15, $1.000000000e+00;
	v13 =	vmul.f32 v56, v13;
	v15 =	vadd.f32 $-5.000000000e-01, v15  }
0x84: {  	v58 =	vadd.f32 $-5.000000000e-01, v12;
	vm3 =	vlt.f32 v12, $1.000000000e+00;
	v12 =	vmul.f32 v14, v2;
	v14 =	vld [tilespmem:$0x8980]  }
0x85: {  	v9 =	vsub.f32 v57, v9;
	v2 =	vand.u32 $0x7FFFFFFF, v2;
	v6 =	vsel vm2, v6, v15;
	v15 =	vld.msk [tilespmem:$0x8990], $0xfff  }
0x86: {  	v60 =	vmul.f32 $5.000000000e-01, v7;
	v59 =	vadd.f32 $-5.000000000e-01, v2;
	v13 =	vsel vm3, v13, v58  }
0x87: {  	v61 =	vmul.f32 $5.000000000e-01, v9;
	v6 =	vadd.f32 v6, v8;
	v8 =	vadd.f32 v13, v11  }
0x88: {  	v11 =	vand.u32 $0x7FFFFFFF, v7;
	v13 =	vand.u32 $0x7FFFFFFF, v9;
	v7 =	vmul.f32 v60, v7  }
0x89: {  	vm2 =	vlt.f32 v11, $1.000000000e+00;
	v11 =	vadd.f32 $-5.000000000e-01, v11;
	v10 =	vsub.f32 v14, v10  }
0x8a: {  	v9 =	vmul.f32 v61, v9;
	v14 =	vadd.f32 $-5.000000000e-01, v13;
	v5 =	vsub.f32 v15, v5  }
0x8b: {  	vm3 =	vlt.f32 v13, $1.000000000e+00;
	v7 =	vsel vm2, v7, v11;
	v11 =	vmul.f32 $5.000000000e-01, v10  }
0x8c: {  	v9 =	vsel vm3, v9, v14;
	v6 =	vadd.f32 v7, v6;
	v7 =	vmul.f32 $5.000000000e-01, v5  }
0x8d: {  	s20 =	sshra.s32 s20, $0x2;
	v13 =	vand.u32 $0x7FFFFFFF, v10;
	v14 =	vand.u32 $0x7FFFFFFF, v5;
	v10 =	vmul.f32 v11, v10  }
0x8e: {  	v11 =	vld [tilespmem:s20+$0x19E00];
	v15 =	vadd.f32 $-5.000000000e-01, v14;
	v5 =	vmul.f32 v7, v5;
	v7 =	vadd.f32 $-5.000000000e-01, v13  }
0x8f: {  	v8 =	vadd.f32 v9, v8;
	vm2 =	vlt.f32 v13, $1.000000000e+00;
	v9 =	vld [tilespmem:$0x1C00C];
	vm3 =	vlt.f32 v14, $1.000000000e+00  }
0x90: {  	v7 =	vsel vm2, v10, v7;
	vm2 =	vlt.f32 v2, $1.000000000e+00;
	v2 =	vsel vm3, v5, v15  }
0x91: {  	v5 =	vsel vm2, v12, v59;
	v6 =	vadd.f32 v7, v6;
	v2 =	vadd.f32 v2, v8  }
0x92: {  	v1 =	vadd.f32 v4, v1;
	v3 =	vadd.f32 v5, v3  }
0x93: {  	vm2 =	vgt.s32 v11, $0x0;
	v4 =	vperm.xlane v6, v0;
	v2 =	vperm.xlane v2, v0  }
0x94: {  	v3 =	vnsel vm2, $0x0, v3;
	vm2 =	vgt.s32 v9, $0x0  }
0x95: {  	v1 =	vadd.f32 v3, v1;
	v2 =	vsel vm0, v4, v2;
	vm2 =	vmand vm2, vm1  }
0x96: {  	v2 =	vnsel vm2, $0x0, v2  }
0x97: {  	v1 =	vadd.f32 v2, v1;
	_ =	sdelay $0x1  }
0x98: {  	s26 =	simm.s32 $0x0;
	[tilespmem:$0x1C080] =	vst v1  }
0x99: {  	[tilespmem:s26], [sflag:$0x1] =	stream.linear.gather [hbm4b:s7+s26], $0x8A00, $0x38;
	[tilespmem:$0x1C180] =	vst v63  }
0x9a: {  	_ =	swait.ge [sflag:s13], $0x8A00  }
0x9b: {  	[sflag:s13] =	ssyncset.done $0x0  }
0x9c: {  	[sflag:s13] =	ssyncadd.s32 $0xFFFF7600  }
0x9d: {  	[tilespmem:s14], [sflag:$0x1] =	stream.linear.gather [hbm4b:s8+s26], $0x8A00, $0x38;
	[tilespmem:$0x1C180] =	vst v63  }
0x9e: {  	_ =	swait.ge [sflag:s13], $0x8A00  }
0x9f: {  	[sflag:s13] =	ssyncset.done $0x0  }
0xa0: {  	[sflag:s13] =	ssyncadd.s32 $0xFFFF7600  }
0xa1: {  	[tilespmem:s17], [sflag:$0x1] =	stream.strided.gather [hbm4b:s9+s15], $0x2280, s16, s15, $0x38;
	[tilespmem:$0x1C180] =	vst v63  }
0xa2: {  	_ =	swait.ge [sflag:s13], $0x2280  }
0xa3: {  	s28 =	sand.u32 $0x70, s26;
	s20 =	sand.u32 $0xFE00, s26;
	[sflag:s13] =	ssyncset.done $0x0  }
0xa4: {  	s20 =	sor.u32 s28, s20;
	[sflag:s13] =	ssyncadd.s32 $0xFFFFDD80  }
0xa5: {  	v1 =	vld [tilespmem:s20+$0x11580]  }
0xa6: {  	v2 =	vld [tilespmem:s20+$0x11500];
	_ =	sdelay $0x3  }
0xa7: {  	v3 =	vld [tilespmem:s20+$0x8A00];
	(erf) = vrcp.f32 v1  }
0xa8: {  	v4 =	vld [tilespmem:s20+$0x11400];
	(erf) = vrcp.f32 v2  }
0xa9: {  	v5 =	vld [tilespmem:s20+$0x8A80]  }
0xaa: {  	v6 =	vld [tilespmem:s20+$0x11480]  }
0xab: {  	s29 =	simm.s32 $0x10;
	s21 =	simm.s32 $0x40  }
0xac: {  	s23 =	sand.u32 $0xFE00, s21;
	s22 =	sand.u32 $0x70, s29  }
0xad: {  	s23 =	sor.u32 s22, s23;
	v8 =	vld [tilespmem:s20+$0x100]  }
0xae: {  	v11 =	vld [tilespmem:s23+$0x11580];
	v4 =	vsub.f32 v3, v4;
	v1 =	vsub.f32 v5, v1  }
0xaf: {  	v5 =	vsub.f32 v5, v6;
	v2 =	vsub.f32 v3, v2;
	v3 =	vld [tilespmem:s20+$0x0]  }
0xb0: {  	v6 =	vld [tilespmem:s20+$0x80];
	v4 =	vmul.f32 $1.000000000e+01, v4;
	v9 =	vpop (erf)  }
0xb1: {  	v12 =	vld [tilespmem:s23+$0x11500];
	v5 =	vmul.f32 $1.000000000e+01, v5;
	v2 =	vmul.f32 $5.000000000e+00, v2;
	v10 =	vpop (erf)  }
0xb2: {  	v7 =	vld [tilespmem:s20+$0x180];
	v1 =	vmul.f32 $5.000000000e+00, v1;
	v4 =	vmul.f32 v10, v4  }
0xb3: {  	v5 =	vmul.f32 v9, v5;
	v2 =	vmul.f32 v2, v10  }
0xb4: {  	(erf) = vrcp.f32 v11;
	v3 =	vsub.f32 v3, v4  }
0xb5: {  	v10 =	vmul.f32 v1, v9;
	v5 =	vsub.f32 v6, v5;
	v2 =	vsub.f32 v8, v2  }
0xb6: {  	(erf) = vrcp.f32 v12;
	v4 =	vmul.f32 $5.000000000e-01, v3  }
0xb7: {  	v7 =	vsub.f32 v7, v10;
	v14 =	vand.u32 $0x7FFFFFFF, v5;
	v6 =	vand.u32 $0x7FFFFFFF, v2  }
0xb8: {  	v9 =	vand.u32 $0x7FFFFFFF, v3;
	v3 =	vmul.f32 v4, v3;
	v4 =	vmul.f32 $5.000000000e-01, v5  }
0xb9: {  	v8 =	vmul.f32 $5.000000000e-01, v7;
	v15 =	vmul.f32 $5.000000000e-01, v2;
	v13 =	vadd.f32 $-5.000000000e-01, v9  }
0xba: {  	v62 =	vld [tilespmem:s23+$0x11400];
	v3 =	vadd.f32 $0.0e+00, v3;
	v4 =	vmul.f32 v4, v5;
	v5 =	vadd.f32 $-5.000000000e-01, v14  }
0xbb: {  	v10 =	vld [tilespmem:s23+$0x8A00];
	vm3 =	vlt.f32 v14, $1.000000000e+00;
	vm2 =	vlt.f32 v9, $1.000000000e+00;
	v9 =	vadd.f32 $-5.000000000e-01, v6  }
0xbc: {  	v63 =	vld [tilespmem:s23+$0x8A80];
	v2 =	vmul.f32 v15, v2;
	v3 =	vsel vm2, v3, v13;
	v4 =	vsel vm3, v4, v5  }
0xbd: {  	s30 =	simm.s32 $0x0;
	v14 =	vld [tilespmem:s23+$0x11480];
	vm2 =	vlt.f32 v6, $1.000000000e+00;
	v6 =	vand.u32 $0x7FFFFFFF, v7;
	v7 =	vmul.f32 v8, v7  }
0xbe: {  	v13 =	vld [tilespmem:s30+$0x19E00];
	v3 =	vadd.f32 v4, v3;
	v2 =	vsel vm2, v2, v9;
	v9 =	vadd.f32 $-5.000000000e-01, v6  }
0xbf: {  	v5 =	vld [tilespmem:s23+$0x100];
	vm2 =	vlt.f32 v6, $1.000000000e+00  }
0xc0: {  	s31 =	simm.s32 $0x20;
	s20 =	simm.s32 $0x80;
	v15 =	vsub.f32 v10, v62;
	v8 =	vld [tilespmem:s23+$0x0];
	v2 =	vadd.f32 v2, v3;
	v9 =	vsel vm2, v7, v9  }
0xc1: {  	s22 =	sand.u32 $0x70, s31;
	s24 =	sand.u32 $0xFE00, s20;
	v11 =	vsub.f32 v63, v11;
	v1 =	vimm.f32 $0.0e+00;
	v4 =	vld [tilespmem:s23+$0x180];
	v3 =	vsub.f32 v10, v12  }
0xc2: {  	s22 =	sor.u32 s22, s24;
	v6 =	vpop (erf);
	v12 =	vmul.f32 $1.000000000e+01, v15;
	v14 =	vsub.f32 v63, v14;
	v7 =	vld [tilespmem:s23+$0x80];
	v15 =	vadd.f32 v9, v2  }
0xc3: {  	v11 =	vmul.f32 $5.000000000e+00, v11;
	v2 =	vld [tilespmem:s22+$0x11580];
	v10 =	vmul.f32 $5.000000000e+00, v3;
	vm2 =	vgt.s32 v13, $0x0;
	v9 =	vpop (erf)  }
0xc4: {  	s23 =	simm.s32 $0x30;
	v3 =	vld [tilespmem:s22+$0x11500];
	v13 =	vmul.f32 $1.000000000e+01, v14;
	v12 =	vmul.f32 v9, v12;
	v14 =	vnsel vm2, $0x0, v15  }
.LBB2_4:
0xc5: {  	p0 =	sne.s32 s23, $0x2200;
	v9 =	vmul.f32 v10, v9;
	v10 =	vmul.f32 v11, v6;
	v1 =	vadd.f32 v14, v1  }
0xc6: {  	v6 =	vmul.f32 v6, v13;
	v8 =	vsub.f32 v8, v12  }
0xc7: {  	v5 =	vsub.f32 v5, v9;
	v9 =	vsub.f32 v4, v10  }
0xc8: {  	(erf) = vrcp.f32 v2;
	v4 =	vmul.f32 $5.000000000e-01, v8;
	v6 =	vsub.f32 v7, v6  }
0xc9: {  	(erf) = vrcp.f32 v3;
	v7 =	vand.u32 $0x7FFFFFFF, v5;
	v10 =	vmul.f32 $5.000000000e-01, v9  }
0xca: {  	v11 =	vand.u32 $0x7FFFFFFF, v8;
	v4 =	vmul.f32 v4, v8;
	v8 =	vmul.f32 $5.000000000e-01, v6  }
0xcb: {  	v13 =	vadd.f32 $-5.000000000e-01, v11;
	v15 =	vmul.f32 $5.000000000e-01, v5;
	v14 =	vand.u32 $0x7FFFFFFF, v6;
	v12 =	vld [tilespmem:s22+$0x8A00]  }
0xcc: {  	v16 =	vld [tilespmem:s22+$0x11400];
	v4 =	vadd.f32 $0.0e+00, v4;
	v6 =	vmul.f32 v8, v6;
	v8 =	vadd.f32 $-5.000000000e-01, v14  }
0xcd: {  	vm2 =	vlt.f32 v11, $1.000000000e+00;
	v11 =	vadd.f32 $-5.000000000e-01, v7;
	vm3 =	vlt.f32 v14, $1.000000000e+00;
	v17 =	vld [tilespmem:s22+$0x8A80]  }
0xce: {  	s24 =	sshra.s32 s21, $0x2;
	s21 =	smov.u32 s20;
	v5 =	vmul.f32 v15, v5;
	v14 =	vld [tilespmem:s22+$0x11480];
	v4 =	vsel vm2, v4, v13;
	v6 =	vsel vm3, v6, v8  }
0xcf: {  	vm2 =	vlt.f32 v7, $1.000000000e+00;
	v7 =	vand.u32 $0x7FFFFFFF, v9;
	v8 =	vadd.f32 v6, v4;
	v13 =	vld [tilespmem:s24+$0x19E00]  }
0xd0: {  	v10 =	vmul.f32 v10, v9;
	v11 =	vsel vm2, v5, v11;
	v15 =	vadd.f32 $-5.000000000e-01, v7;
	v4 =	vld [tilespmem:s22+$0x180]  }
.Ltmp1:
0xd1: {  	s20 =	sadd.s32 $0x40, s20;
	vm2 =	vlt.f32 v7, $1.000000000e+00;
	v16 =	vsub.f32 v12, v16;
	v5 =	vld [tilespmem:s22+$0x100];
	v6 =	vpop (erf);
	v11 =	vadd.f32 v11, v8;
	(pc) =	sbr.rel @p0 .LBB2_4-.Ltmp1, $4  }
0xd2: {  	s25 =	sand.u32 $0xFE00, s20;
	s24 =	sand.u32 $0x70, s23;
	v3 =	vsub.f32 v12, v3;
	v12 =	vsub.f32 v17, v2;
	v8 =	vld [tilespmem:s22+$0x0];
	v9 =	vpop (erf);
	v2 =	vsel vm2, v10, v15  }
0xd3: {  	v15 =	vmul.f32 $1.000000000e+01, v16;
	v14 =	vsub.f32 v17, v14;
	v7 =	vld [tilespmem:s22+$0x80];
	s22 =	sor.u32 s24, s25;
	v16 =	vadd.f32 v2, v11  }
0xd4: {  	v10 =	vmul.f32 $5.000000000e+00, v3;
	v2 =	vld [tilespmem:s22+$0x11580];
	v11 =	vmul.f32 $5.000000000e+00, v12;
	vm2 =	vgt.s32 v13, $0x0  }
0xd5: {  	s23 =	sadd.s32 $0x10, s23;
	v3 =	vld [tilespmem:s22+$0x11500];
	v12 =	vmul.f32 v9, v15;
	v13 =	vmul.f32 $1.000000000e+01, v14;
	v14 =	vnsel vm2, $0x0, v16  }
0xd6: {  	v22 =	vld [tilespmem:s22+$0x8A00]  }
0xd7: {  	v23 =	vld [tilespmem:s22+$0x11400]  }
0xd8: {  	v15 =	vld [tilespmem:s22+$0x8A80]  }
0xd9: {  	v18 =	vld [tilespmem:s22+$0x11480]  }
0xda: {  	v43 =	vld [tilespmem:$0x11200]  }
0xdb: {  	v45 =	vld.msk [tilespmem:$0x19D10], $0xfff  }
0xdc: {  	v9 =	vmul.f32 v10, v9;
	v19 =	vmul.f32 v11, v6;
	v47 =	vld.msk [tilespmem:$0x11210], $0xfff  }
0xdd: {  	v1 =	vadd.f32 v14, v1;
	v49 =	vld [tilespmem:$0x19D80];
	v8 =	vsub.f32 v8, v12;
	v20 =	vmul.f32 v6, v13  }
0xde: {  	v51 =	vld [tilespmem:$0x19C00];
	v5 =	vsub.f32 v5, v9;
	v4 =	vsub.f32 v4, v19  }
0xdf: {  	v58 =	vld [tilespmem:$0x11280];
	(erf) = vrcp.f32 v2;
	v21 =	vmul.f32 $5.000000000e-01, v8;
	v6 =	vsub.f32 v7, v20  }
0xe0: {  	v62 =	vld.msk [tilespmem:$0x11290], $0xfff;
	v12 =	vand.u32 $0x7FFFFFFF, v8;
	(erf) = vrcp.f32 v3;
	v24 =	vand.u32 $0x7FFFFFFF, v5  }
0xe1: {  	v63 =	vld.msk [tilespmem:$0x19C90], $0xfff;
	v25 =	vmul.f32 $5.000000000e-01, v4;
	v27 =	vadd.f32 $-5.000000000e-01, v12;
	v17 =	vmul.f32 $5.000000000e-01, v5  }
0xe2: {  	v55 =	vld.msk [tilespmem:$0x19D90], $0xfff;
	vm2 =	vlt.f32 v12, $1.000000000e+00;
	v29 =	vadd.f32 $-5.000000000e-01, v24;
	v7 =	vsub.f32 v22, v23  }
0xe3: {  	v32 =	vand.u32 $0x7FFFFFFF, v4;
	v35 =	vsub.f32 v15, v18;
	v3 =	vsub.f32 v22, v3  }
0xe4: {  	v8 =	vmul.f32 v21, v8;
	v37 =	vadd.f32 $-5.000000000e-01, v32;
	v2 =	vsub.f32 v15, v2  }
0xe5: {  	v26 =	vmul.f32 $5.000000000e-01, v6;
	v15 =	vsub.f32 v43, v51;
	v9 =	vsub.f32 v47, v45  }
0xe6: {  	v54 =	vld.msk [tilespmem:$0x19C10], $0xfff;
	v16 =	vand.u32 $0x7FFFFFFF, v6;
	v10 =	vsub.f32 v58, v49;
	v13 =	vsub.f32 v62, v63  }
0xe7: {  	v11 =	vsub.f32 v62, v55;
	v5 =	vmul.f32 v17, v5;
	v4 =	vmul.f32 v25, v4  }
0xe8: {  	v28 =	vadd.f32 $-5.000000000e-01, v16;
	v6 =	vmul.f32 v26, v6;
	v7 =	vmul.f32 $1.000000000e+01, v7  }
0xe9: {  	vm3 =	vlt.f32 v16, $1.000000000e+00;
	v39 =	vmul.f32 $1.000000000e+01, v35;
	v3 =	vmul.f32 $5.000000000e+00, v3  }
0xea: {  	v41 =	vld [tilespmem:$0x19D00];
	v8 =	vadd.f32 $0.0e+00, v8;
	v2 =	vmul.f32 $5.000000000e+00, v2;
	v15 =	vmul.f32 $1.000000000e+01, v15  }
0xeb: {  	v30 =	vld [tilespmem:s22+$0x0];
	v17 =	vsub.f32 v47, v54;
	v9 =	vmul.f32 $5.000000000e+00, v9;
	v10 =	vmul.f32 $5.000000000e+00, v10  }
0xec: {  	v33 =	vld [tilespmem:s22+$0x180];
	v13 =	vmul.f32 $1.000000000e+01, v13;
	v8 =	vsel vm2, v8, v27;
	v6 =	vsel vm3, v6, v28  }
0xed: {  	v36 =	vld [tilespmem:s22+$0x80];
	v11 =	vmul.f32 $5.000000000e+00, v11;
	vm2 =	vlt.f32 v24, $1.000000000e+00;
	v6 =	vadd.f32 v6, v8  }
0xee: {  	v38 =	vld [tilespmem:s22+$0x100];
	v23 =	vmul.f32 $1.000000000e+01, v17;
	v5 =	vsel vm2, v5, v29;
	vm2 =	vlt.f32 v32, $1.000000000e+00;
	v31 =	vpop (erf)  }
0xef: {  	v5 =	vadd.f32 v5, v6;
	(erf) = vrcp.f32 v41;
	v42 =	vmul.f32 v31, v39  }
0xf0: {  	v4 =	vsel vm2, v4, v37;
	v34 =	vpop (erf);
	v2 =	vmul.f32 v2, v31;
	(erf) = vrcp.f32 v45  }
0xf1: {  	v7 =	vmul.f32 v34, v7;
	v3 =	vmul.f32 v3, v34;
	v4 =	vadd.f32 v4, v5  }
0xf2: {  	(erf) = vrcp.f32 v49;
	v46 =	vsub.f32 v36, v42;
	v2 =	vsub.f32 v33, v2  }
0xf3: {  	(erf) = vrcp.f32 v55;
	v40 =	vsub.f32 v30, v7;
	v3 =	vsub.f32 v38, v3  }
0xf4: {  	v60 =	vld [tilespmem:$0x19C80];
	v7 =	vsub.f32 v43, v41;
	v50 =	vmul.f32 $5.000000000e-01, v46;
	v53 =	vand.u32 $0x7FFFFFFF, v46  }
0xf5: {  	v26 =	vmul.f32 $5.000000000e-01, v2;
	v44 =	vmul.f32 $5.000000000e-01, v40;
	v6 =	vand.u32 $0x7FFFFFFF, v40  }
0xf6: {  	v19 =	vmul.f32 $5.000000000e-01, v3;
	v57 =	vadd.f32 $-5.000000000e-01, v53;
	vm3 =	vlt.f32 v53, $1.000000000e+00  }
0xf7: {  	s21 =	sshra.s32 s21, $0x2;
	v59 =	vand.u32 $0x7FFFFFFF, v3;
	v7 =	vmul.f32 $5.000000000e+00, v7;
	v52 =	vadd.f32 $-5.000000000e-01, v6  }
0xf8: {  	v56 =	vld [tilespmem:s21+$0x19E00];
	v5 =	vmul.f32 v50, v46;
	vm2 =	vlt.f32 v6, $1.000000000e+00;
	v61 =	vadd.f32 $-5.000000000e-01, v59  }
0xf9: {  	v21 =	vld [tilespmem:$0x8800];
	v6 =	vsub.f32 v58, v60;
	v48 =	vmul.f32 v44, v40;
	v3 =	vmul.f32 v19, v3  }
0xfa: {  	v36 =	vld [tilespmem:$0x8900];
	v44 =	vmul.f32 v26, v2;
	v2 =	vand.u32 $0x7FFFFFFF, v2;
	v5 =	vsel vm3, v5, v57  }
0xfb: {  	v28 =	vld [tilespmem:$0x8880];
	vm3 =	vlt.f32 v59, $1.000000000e+00;
	v22 =	vpop (erf);
	v6 =	vmul.f32 $1.000000000e+01, v6;
	v8 =	vadd.f32 $0.0e+00, v48  }
0xfc: {  	v41 =	vld.msk [tilespmem:$0x8910], $0xfff;
	v47 =	vadd.f32 $-5.000000000e-01, v2;
	v3 =	vsel vm3, v3, v61;
	v15 =	vmul.f32 v22, v15;
	v25 =	vpop (erf)  }
0xfd: {  	v45 =	vld [tilespmem:$0x8980];
	v7 =	vmul.f32 v7, v22;
	v27 =	vpop (erf);
	v9 =	vmul.f32 v9, v25;
	v8 =	vsel vm2, v8, v52  }
0xfe: {  	v24 =	vld.msk [tilespmem:$0x8810], $0xfff;
	vm2 =	vgt.s32 v56, $0x0;
	v15 =	vsub.f32 v21, v15;
	v6 =	vmul.f32 v27, v6  }
0xff: {  	v32 =	vld.msk [tilespmem:$0x8890], $0xfff;
	v10 =	vmul.f32 v10, v27;
	v29 =	vpop (erf);
	v7 =	vsub.f32 v36, v7;
	v5 =	vadd.f32 v5, v8  }
0x100: {  	v8 =	vmul.f32 v25, v23;
	v4 =	vnsel vm2, $0x0, v4;
	v13 =	vmul.f32 v29, v13  }
0x101: {  	v9 =	vsub.f32 v41, v9;
	v30 =	vmul.f32 $5.000000000e-01, v15;
	v6 =	vsub.f32 v28, v6  }
0x102: {  	v48 =	vmul.f32 $5.000000000e-01, v7;
	v50 =	vand.u32 $0x7FFFFFFF, v7;
	v10 =	vsub.f32 v45, v10  }
0x103: {  	v8 =	vsub.f32 v24, v8;
	v3 =	vadd.f32 v3, v5;
	v5 =	vmul.f32 v11, v29  }
0x104: {  	v46 =	vld.msk [tilespmem:$0x8990], $0xfff;
	v13 =	vsub.f32 v32, v13;
	v51 =	vand.u32 $0x7FFFFFFF, v9;
	v52 =	vmul.f32 $5.000000000e-01, v9  }
0x105: {  	v12 =	vmul.f32 v30, v15;
	v15 =	vand.u32 $0x7FFFFFFF, v15;
	v38 =	vmul.f32 $5.000000000e-01, v6  }
0x106: {  	v39 =	vand.u32 $0x7FFFFFFF, v6;
	v7 =	vmul.f32 v48, v7;
	v53 =	vadd.f32 $-5.000000000e-01, v51  }
0x107: {  	v54 =	vmul.f32 $5.000000000e-01, v10;
	v56 =	vand.u32 $0x7FFFFFFF, v10;
	v31 =	vmul.f32 $5.000000000e-01, v8  }
0x108: {  	v33 =	vadd.f32 $-5.000000000e-01, v15;
	vm2 =	vlt.f32 v15, $1.000000000e+00;
	v40 =	vmul.f32 $5.000000000e-01, v13  }
0x109: {  	v42 =	vand.u32 $0x7FFFFFFF, v13;
	v15 =	vadd.f32 $-5.000000000e-01, v39;
	v5 =	vsub.f32 v46, v5  }
0x10a: {  	v9 =	vmul.f32 v52, v9;
	v59 =	vadd.f32 $-5.000000000e-01, v56;
	v12 =	vadd.f32 $0.0e+00, v12  }
0x10b: {  	v6 =	vmul.f32 v38, v6;
	v43 =	vadd.f32 $-5.000000000e-01, v42;
	v16 =	vmul.f32 v31, v8  }
0x10c: {  	v10 =	vmul.f32 v54, v10;
	v8 =	vand.u32 $0x7FFFFFFF, v8;
	v13 =	vmul.f32 v40, v13  }
0x10d: {  	v55 =	vmul.f32 $5.000000000e-01, v5;
	v34 =	vadd.f32 $-5.000000000e-01, v8;
	v35 =	vadd.f32 $0.0e+00, v16  }
0x10e: {  	v57 =	vand.u32 $0x7FFFFFFF, v5;
	vm3 =	vlt.f32 v8, $1.000000000e+00;
	v37 =	vsel vm2, v12, v33  }
0x10f: {  	vm2 =	vlt.f32 v39, $1.000000000e+00;
	v11 =	vsel vm3, v35, v34;
	vm3 =	vlt.f32 v42, $1.000000000e+00  }
0x110: {  	v60 =	vadd.f32 $-5.000000000e-01, v57;
	v6 =	vsel vm2, v6, v15;
	v13 =	vsel vm3, v13, v43  }
0x111: {  	vm2 =	vlt.f32 v50, $1.000000000e+00;
	v49 =	vadd.f32 v13, v11;
	v11 =	vadd.f32 $-5.000000000e-01, v50  }
0x112: {  	s20 =	sshra.s32 s20, $0x2;
	v5 =	vmul.f32 v55, v5;
	v6 =	vadd.f32 v6, v37;
	vm3 =	vlt.f32 v51, $1.000000000e+00  }
0x113: {  	v58 =	vld [tilespmem:s20+$0x19E00];
	v9 =	vsel vm3, v9, v53;
	vm3 =	vlt.f32 v57, $1.000000000e+00;
	v7 =	vsel vm2, v7, v11  }
0x114: {  	v61 =	vld [tilespmem:$0x1C00C];
	v8 =	vadd.f32 v9, v49;
	vm2 =	vlt.f32 v56, $1.000000000e+00;
	v6 =	vadd.f32 v7, v6  }
0x115: {  	v7 =	vsel vm2, v10, v59;
	vm2 =	vlt.f32 v2, $1.000000000e+00;
	v2 =	vsel vm3, v5, v60  }
0x116: {  	v62 =	vsel vm2, v44, v47;
	v2 =	vadd.f32 v2, v8;
	v6 =	vadd.f32 v7, v6  }
0x117: {  	v1 =	vadd.f32 v4, v1;
	v3 =	vadd.f32 v62, v3  }
0x118: {  	vm2 =	vgt.s32 v58, $0x0;
	v2 =	vperm.xlane v2, v0;
	v63 =	vperm.xlane v6, v0  }
0x119: {  	v3 =	vnsel vm2, $0x0, v3;
	vm2 =	vgt.s32 v61, $0x0  }
0x11a: {  	v1 =	vadd.f32 v3, v1;
	vm2 =	vmand vm2, vm1;
	v2 =	vsel vm0, v63, v2  }
0x11b: {  	v2 =	vnsel vm2, $0x0, v2  }
0x11c: {  	s19 =	sadd.s32 $0x1, s19;
	v1 =	vadd.f32 v2, v1  }
0x11d: {  	p0 =	sne.s32 s19, s11  }
.Ltmp2:
0x11e: {  	[tilespmem:$0x1C100] =	vst v1;
	(pc) =	sbr.rel @p0 .LBB2_1-.Ltmp2, $4  }
0x11f: {  	[hbm4b:s10+s3] =	stream.linear.scatter [tilespmem:s18], [sflag:$0x1], $0x100, $0x38;
	[tilespmem:$0x1C180] =	vst v63  }
0x120: {  	_ =	swait.ge [sflag:s13], $0x100  }
0x121: {  	[sflag:s13] =	ssyncset.done $0x0  }
0x122: {  	[sflag:s13] =	ssyncadd.s32 $0xFFFFFF00  }
0x123: {  	_ =	sfence.sel $0x180000  }
0x124: {  	[bflag:$0x0] =	sbarrier.arrive $0xFFFF  }
0x125: {  	p0 =	sne.s32 s2, $0x0;
	_ =	strace $0x90000047  }
0x126: {  	s0 =	sadd.s32 @!p0 $0x100000, s0;
	[bflag:$0x2] =	sbarrier.arrive $0xFFFF  }
0x127: {  	[sflag:s0] =	ssyncadd.tile.s32 @!p0 $0x1;
	_ =	shalt  }
.Lfunc_end2:
_tile_overlayer_lowered:
.L_overlay_start_2:
0x128: {  	(tag) =	ssettag $0x2  }
0x129: {  	s0 =	rddreg [dreg:$0x0];
	s2 =	stileid.u32  }
0x12a: {  	s1 =	rddreg [dreg:$0x1];
	p0 =	sne.s32 s2, $0x0  }
0x12b: {  	s3 =	rddreg [dreg:$0x2];
	[bflag:$0x3] =	sbarrier.arrive $0xFFFF;
	s2 =	simm.s32 @!p0 $0x1C01  }
0x12c: {  	[timem:s3], [sflag:s2] =	dma.local @!p0 [hbm:s0], s1  }
0x12d: {  	s0 =	simm.s32 @!p0 $0x1  }
0x12e: {  	_ =	swait.ge @!p0 [sflag:s0], s1  }
0x12f: {  	s1 =	ssub.s32 @!p0 $0x0, s1;
	[sflag:s0] =	ssyncset.done @!p0 $0x0  }
0x130: {  	[sflag:s0] =	ssyncadd.s32 @!p0 s1  }
0x131: {  	[bflag:$0x3] =	sbarrier.arrive $0xFFFF  }
0x132: {  	_ =	shalt  }

</sc_bundles>
